<compile_context>
chip_gen: v7x
topology: tpu7x:2x2x1
jax: 0.10.2.dev20260603
libtpu: 0.0.44.dev20260713+nightly
codegen_flags: <defaults>
</compile_context>

<pallas_src>
import functools
import math

import jax
import jax.numpy as jnp
from jax import lax
from jax.experimental import pallas as pl
from jax.experimental.pallas import tpu as pltpu
from jax.experimental.pallas import tpu_sc as plsc

RADIUS = 0.5
K = 32
B_, NQ, NC, H = 4, 1024, 8192, 128
TQ = 128
RT = 2048
QT = 64
NROW = B_ * NQ * K
NQF = B_ * NQ



def _knn_body(qp_ref, ct_ref, idx_ref, c_ref):
    t = pl.program_id(0)
    b = t // (NQ // TQ)
    qp = qp_ref[...]
    ct = ct_ref[0]
    q2 = jnp.sum(qp * qp, axis=1, keepdims=True)
    c2 = jnp.sum(ct * ct, axis=0, keepdims=True)
    qc = jax.lax.dot_general(qp, ct, (((1,), (0,)), ((), ())),
                             preferred_element_type=jnp.float32)
    D = jnp.maximum(q2 + c2 - 2.0 * qc, 0.0)

    lane = jax.lax.broadcasted_iota(jnp.int32, (TQ, NC), 1)
    col = jax.lax.broadcasted_iota(jnp.int32, (TQ, K), 1)

    def step(i, carry):
        D, acc_i, acc_d = carry
        m = jnp.min(D, axis=1, keepdims=True)
        am = jnp.min(jnp.where(D == m, lane, NC), axis=1, keepdims=True)
        acc_i = jnp.where(col == i, am, acc_i)
        acc_d = jnp.where(col == i, m, acc_d)
        D = jnp.where(lane == am, jnp.float32(1e30), D)
        return D, acc_i, acc_d

    acc_i0 = jnp.zeros((TQ, K), jnp.int32)
    acc_d0 = jnp.zeros((TQ, K), jnp.float32)
    _, acc_i, acc_d = lax.fori_loop(0, K, step, (D, acc_i0, acc_d0))

    keep = acc_d <= RADIUS ** 2
    idx_local = jnp.where(keep, acc_i, 0)
    d = jnp.where(keep, acc_d, 0.0)
    idx_ref[...] = idx_local + b * NC
    cw = 0.5 * (jnp.cos(d * (math.pi / RADIUS)) + 1.0)
    c_ref[...] = jnp.where((d > 0.0) & keep, cw, 0.0)


def _knn(qp, ct):
    grid = (NQF // TQ,)
    return pl.pallas_call(
        _knn_body,
        grid=grid,
        in_specs=[
            pl.BlockSpec((TQ, 8), lambda t: (t, 0)),
            pl.BlockSpec((1, 8, NC), lambda t: (t // (NQ // TQ), 0, 0)),
        ],
        out_specs=[
            pl.BlockSpec((TQ, K), lambda t: (t, 0)),
            pl.BlockSpec((TQ, K), lambda t: (t, 0)),
        ],
        out_shape=[
            jax.ShapeDtypeStruct((NQF, K), jnp.int32),
            jax.ShapeDtypeStruct((NQF, K), jnp.float32),
        ],
        compiler_params=pltpu.CompilerParams(
            dimension_semantics=("parallel",)),
    )(qp, ct)



_CHUNK = 128


def _sc_gather(h_tab, p_tab, idx_flat):
    info = plsc.get_sparse_core_info()
    nw = info.num_cores * info.num_subcores
    rows_w = NROW // nw
    nch = rows_w // _CHUNK
    mesh = plsc.VectorSubcoreMesh(core_axis_name="c", subcore_axis_name="s")

    @functools.partial(
        pl.kernel, mesh=mesh,
        out_type=[
            jax.ShapeDtypeStruct((NROW, H), jnp.float32),
            jax.ShapeDtypeStruct((NROW, 128), jnp.float32),
        ],
        scratch_types=[
            pltpu.VMEM((_CHUNK,), jnp.int32),
            pltpu.VMEM((_CHUNK, H), jnp.float32),
            pltpu.VMEM((_CHUNK, 128), jnp.float32),
            pltpu.SemaphoreType.DMA,
            pltpu.SemaphoreType.DMA,
        ],
    )
    def kern(h_hbm, p_hbm, idx_hbm, oh_hbm, op_hbm, idx_v, h_v, p_v, sem,
             sem2):
        wid = lax.axis_index("s") * info.num_cores + lax.axis_index("c")
        base = wid * rows_w

        def body(g, carry):
            off = base + g * _CHUNK
            pltpu.sync_copy(idx_hbm.at[pl.ds(off, _CHUNK)], idx_v)
            ch = pltpu.async_copy(h_hbm.at[idx_v], h_v, sem)
            cp = pltpu.async_copy(p_hbm.at[idx_v], p_v, sem2)
            ch.wait()
            cp.wait()
            pltpu.sync_copy(h_v, oh_hbm.at[pl.ds(off, _CHUNK)])
            pltpu.sync_copy(p_v, op_hbm.at[pl.ds(off, _CHUNK)])
            return carry

        lax.fori_loop(0, nch, body, 0)

    return kern(h_tab, p_tab, idx_flat)



def _mlp0_body(hg_ref, pg_ref, qr_ref, wr_ref, br_ref, w0a_ref, w0b_ref,
               b0_ref, z_ref, st_ref):
    t = pl.program_id(1)
    prel = pg_ref[...][:, :16] - qr_ref[...]
    hrel = jnp.dot(prel, wr_ref[...],
                   preferred_element_type=jnp.float32) + br_ref[...]
    z = (jnp.dot(hrel, w0a_ref[...], preferred_element_type=jnp.float32)
         + jnp.dot(hg_ref[...], w0b_ref[...],
                   preferred_element_type=jnp.float32) + b0_ref[...])
    z_ref[...] = z

    @pl.when(t == 0)
    def _():
        st_ref[...] = jnp.zeros_like(st_ref)

    s1 = jnp.sum(z, axis=0, keepdims=True)
    s2 = jnp.sum(z * z, axis=0, keepdims=True)
    st_ref[...] += jnp.concatenate(
        [s1, s2, jnp.zeros((6, z.shape[1]), jnp.float32)], axis=0)[None]


def _mlp_body(z_ref, st_in_ref, g_ref, be_ref, w_ref, b_ref, z_out_ref,
              st_ref, *, n):
    t = pl.program_id(1)
    st = st_in_ref[0] + st_in_ref[1]
    mean = st[0:1, :] / n
    var = st[1:2, :] / n - mean * mean
    y = (z_ref[...] - mean) * jax.lax.rsqrt(var + 1e-5) * g_ref[...] \
        + be_ref[...]
    y = jnp.maximum(y, 0.0)
    z = jnp.dot(y, w_ref[...], preferred_element_type=jnp.float32) + b_ref[...]
    z_out_ref[...] = z

    @pl.when(t == 0)
    def _():
        st_ref[...] = jnp.zeros_like(st_ref)

    s1 = jnp.sum(z, axis=0, keepdims=True)
    s2 = jnp.sum(z * z, axis=0, keepdims=True)
    st_ref[...] += jnp.concatenate(
        [s1, s2, jnp.zeros((6, z.shape[1]), jnp.float32)], axis=0)[None]


def _full(shape):
    return pl.BlockSpec(shape, lambda *_: tuple(0 for _ in shape))


_NT = NROW // RT // 2


def _row(c):
    return pl.BlockSpec((RT, c), lambda i, t: (i * _NT + t, 0))


def _stspec(c):
    return pl.BlockSpec((1, 8, c), lambda i, t: (i, 0, 0))


def _mlp0(h_g, p_g, q_rep, wr, br, w0a, w0b, b0):
    return pl.pallas_call(
        _mlp0_body,
        grid=(2, _NT),
        in_specs=[
            _row(H), _row(128), _row(16),
            _full((16, 64)), _full((1, 64)),
            _full((64, 128)), _full((128, 128)), _full((1, 128)),
        ],
        out_specs=[_row(128), _stspec(128)],
        out_shape=[
            jax.ShapeDtypeStruct((NROW, 128), jnp.float32),
            jax.ShapeDtypeStruct((2, 8, 128), jnp.float32),
        ],
        compiler_params=pltpu.CompilerParams(
            dimension_semantics=("parallel", "arbitrary")),
    )(h_g, p_g, q_rep, wr, br, w0a, w0b, b0)


def _mlp_layer(z, st_in, g, be, w, b, cout):
    cin = z.shape[1]
    return pl.pallas_call(
        functools.partial(_mlp_body, n=float(NROW)),
        grid=(2, _NT),
        in_specs=[
            _row(cin),
            _full((2, 8, cin)),
            _full((1, cin)), _full((1, cin)),
            _full((cin, cout)), _full((1, cout)),
        ],
        out_specs=[_row(cout), _stspec(cout)],
        out_shape=[
            jax.ShapeDtypeStruct((NROW, cout), jnp.float32),
            jax.ShapeDtypeStruct((2, 8, cout), jnp.float32),
        ],
        compiler_params=pltpu.CompilerParams(
            dimension_semantics=("parallel", "arbitrary")),
    )(z, st_in, g, be, w, b)



def _ksum_body(z_ref, st_ref, g_ref, be_ref, c_ref, s_ref):
    st = st_ref[0] + st_ref[1]
    n = float(NROW)
    mean = (st[0:1, :] / n).reshape(1, 1, 256)
    var = (st[1:2, :] / n).reshape(1, 1, 256) - mean * mean
    g = g_ref[...].reshape(1, 1, 256)
    be = be_ref[...].reshape(1, 1, 256)
    y = (z_ref[...] - mean) * jax.lax.rsqrt(var + 1e-5) * g + be
    y = y * c_ref[...][:, :, None]
    s_ref[...] = jnp.sum(y, axis=1)


def _ksum(z2r, st2, g, be, cwin):
    grid = (NQF // QT,)
    return pl.pallas_call(
        _ksum_body,
        grid=grid,
        in_specs=[
            pl.BlockSpec((QT, K, 256), lambda t: (t, 0, 0)),
            _full((2, 8, 256)),
            _full((1, 256)), _full((1, 256)),
            pl.BlockSpec((QT, K), lambda t: (t, 0)),
        ],
        out_specs=pl.BlockSpec((QT, 256), lambda t: (t, 0)),
        out_shape=jax.ShapeDtypeStruct((NQF, 256), jnp.float32),
        compiler_params=pltpu.CompilerParams(
            dimension_semantics=("parallel",)),
    )(z2r, st2, g, be, cwin)



def _head_body(s_ref, w0_ref, b0_ref, g0_ref, be0_ref, w1_ref, b1_ref,
               g1_ref, be1_ref, w2_ref, b2_ref, o_ref):
    n = float(NQF)

    def bn(z, g, be):
        m = jnp.sum(z, axis=0, keepdims=True) / n
        v = jnp.sum(z * z, axis=0, keepdims=True) / n - m * m
        return (z - m) * jax.lax.rsqrt(v + 1e-5) * g + be

    z = jnp.dot(s_ref[...], w0_ref[...],
                preferred_element_type=jnp.float32) + b0_ref[...]
    y = jnp.maximum(bn(z, g0_ref[...], be0_ref[...]), 0.0)
    z = jnp.dot(y, w1_ref[...], preferred_element_type=jnp.float32) \
        + b1_ref[...]
    y = jnp.maximum(bn(z, g1_ref[...], be1_ref[...]), 0.0)
    o_ref[...] = jnp.dot(y, w2_ref[...],
                         preferred_element_type=jnp.float32) + b2_ref[...]


def _head(s, w0, b0, g0, be0, w1, b1, g1, be1, w2p, b2p):
    return pl.pallas_call(
        _head_body,
        in_specs=[
            _full((NQF, 256)),
            _full((256, 128)), _full((1, 128)), _full((1, 128)),
            _full((1, 128)),
            _full((128, 64)), _full((1, 64)), _full((1, 64)), _full((1, 64)),
            _full((64, 8)), _full((1, 8)),
        ],
        out_specs=_full((NQF, 8)),
        out_shape=jax.ShapeDtypeStruct((NQF, 8), jnp.float32),
    )(s, w0, b0, g0, be0, w1, b1, g1, be1, w2p, b2p)



def kernel(p_query, p_context, h_context, W_raise, b_raise,
           W_pw0, b_pw0, g_pw0, be_pw0,
           W_pw1, b_pw1, g_pw1, be_pw1,
           W_pw2, b_pw2, g_pw2, be_pw2,
           W_g0, b_g0, g_g0, be_g0,
           W_g1, b_g1, g_g1, be_g1,
           W_g2, b_g2):
    qp = jnp.pad(p_query.reshape(NQF, 3), ((0, 0), (0, 5)))
    ct = jnp.pad(jnp.swapaxes(p_context, 1, 2), ((0, 0), (0, 5), (0, 0)))
    h_tab = h_context.reshape(B_ * NC, H)
    p_tab = jnp.pad(p_context.reshape(B_ * NC, 3), ((0, 0), (0, 125)))
    q_rep = jnp.pad(
        jnp.broadcast_to(p_query.reshape(NQF, 1, 3), (NQF, K, 3)
                         ).reshape(NROW, 3), ((0, 0), (0, 13)))
    wr = jnp.pad(W_raise.T, ((0, 13), (0, 0)))
    w0a, w0b = W_pw0[:64], W_pw0[64:]
    r1 = lambda v: v.reshape(1, -1)
    w2p = jnp.pad(W_g2, ((0, 0), (0, 5)))
    b2p = jnp.pad(b_g2, (0, 5)).reshape(1, 8)

    idx_flat, cwin = _knn(qp, ct)

    h_g, p_g = _sc_gather(h_tab, p_tab, idx_flat.reshape(NROW))

    z0, st0 = _mlp0(h_g, p_g, q_rep, wr, r1(b_raise), w0a, w0b, r1(b_pw0))
    z1, st1 = _mlp_layer(z0, st0, r1(g_pw0), r1(be_pw0), W_pw1, r1(b_pw1), 128)
    z2, st2 = _mlp_layer(z1, st1, r1(g_pw1), r1(be_pw1), W_pw2, r1(b_pw2), 256)
    s = _ksum(z2.reshape(NQF, K, 256), st2, r1(g_pw2), r1(be_pw2), cwin)

    o = _head(s, W_g0, r1(b_g0), r1(g_g0), r1(be_g0),
              W_g1, r1(b_g1), r1(g_g1), r1(be_g1), w2p, b2p)
    return o[:, :3].reshape(B_, NQ, 3)

# --- scband reference (transcript-rebuilt; emitter-appended) ---
"""Pipeline reference for scband-radius-vector-field-82162724373125 (READ-ONLY COPY).

The authoritative reference and input builder live on the scoring server;
editing this copy changes nothing except your own understanding.
"""

import jax, jax.numpy as jnp
import numpy as np

RADIUS = 0.5
NUM_POINTS = 32
MAX_POINTS = 60


def _bn(x, g, b, axes):
    m = jnp.mean(x, axis=axes, keepdims=True)
    v = jnp.var(x, axis=axes, keepdims=True)
    return (x - m) / jnp.sqrt(v + 1e-5) * g + b


def setup_inputs(seed: int = 0):
    key = jax.random.key(seed)
    ks = jax.random.split(key, 24)
    B, Nq, Nc, H = 4, 1024, 8192, 128

    def w(k, shape):
        return jax.random.normal(k, shape, dtype=jnp.float32) * 0.05

    inp = {
        "p_query": jax.random.uniform(ks[0], (B, Nq, 3), dtype=jnp.float32),
        "p_context": jax.random.uniform(ks[1], (B, Nc, 3), dtype=jnp.float32),
        "h_context": jax.random.normal(ks[2], (B, Nc, H), dtype=jnp.float32),
        "W_raise": w(ks[3], (64, 3)), "b_raise": w(ks[4], (64,)),
        "W_pw0": w(ks[5], (192, 128)), "b_pw0": w(ks[6], (128,)),
        "g_pw0": jnp.ones((128,), jnp.float32), "be_pw0": jnp.zeros((128,), jnp.float32),
        "W_pw1": w(ks[7], (128, 128)), "b_pw1": w(ks[8], (128,)),
        "g_pw1": jnp.ones((128,), jnp.float32), "be_pw1": jnp.zeros((128,), jnp.float32),
        "W_pw2": w(ks[9], (128, 256)), "b_pw2": w(ks[10], (256,)),
        "g_pw2": jnp.ones((256,), jnp.float32), "be_pw2": jnp.zeros((256,), jnp.float32),
        "W_g0": w(ks[11], (256, 128)), "b_g0": w(ks[12], (128,)),
        "g_g0": jnp.ones((128,), jnp.float32), "be_g0": jnp.zeros((128,), jnp.float32),
        "W_g1": w(ks[13], (128, 64)), "b_g1": w(ks[14], (64,)),
        "g_g1": jnp.ones((64,), jnp.float32), "be_g1": jnp.zeros((64,), jnp.float32),
        "W_g2": w(ks[15], (64, 3)), "b_g2": w(ks[16], (3,)),
    }
    return inp


def _forward(p_query, p_context, h_context, W_raise, b_raise,
             W_pw0, b_pw0, g_pw0, be_pw0,
             W_pw1, b_pw1, g_pw1, be_pw1,
             W_pw2, b_pw2, g_pw2, be_pw2,
             W_g0, b_g0, g_g0, be_g0,
             W_g1, b_g1, g_g1, be_g1,
             W_g2, b_g2):
    N = p_context.shape[1]
    # brute-force KNN (squared distances), sorted ascending like pytorch3d.ops.knn_points
    q2 = jnp.sum(p_query ** 2, axis=-1)
    c2 = jnp.sum(p_context ** 2, axis=-1)
    D = jnp.maximum(q2[:, :, None] + c2[:, None, :]
                    - 2.0 * jnp.einsum('bqd,bnd->bqn', p_query, p_context), 0.0)
    neg, idx = jax.lax.top_k(-D, MAX_POINTS)
    dist = -neg  # ascending squared distances, (B, Nq, MAX_POINTS)
    knn_idx = jnp.where(dist > RADIUS ** 2, N + 1, idx)
    rg_idx = knn_idx[:, :, :NUM_POINTS]
    mask = rg_idx == N + 1
    rg_idx = jnp.where(mask, 0, rg_idx)
    radius_graph_points = jax.vmap(lambda pts, i: pts[i])(p_context, rg_idx)  # knn_gather
    d = dist[:, :, :NUM_POINTS]
    d = jnp.where(mask, 0.0, d)
    p_rel = radius_graph_points - p_query[:, :, None, :]
    h_rel = p_rel @ W_raise.T + b_raise
    h_grp = jax.vmap(lambda f, i: f[i])(h_context, rg_idx)  # knn_gather on features
    h = jnp.concatenate([h_rel, h_grp], axis=-1)  # (B, Nq, K, 192)
    # pointwise 1x1 Conv2d + BatchNorm2d (training-mode batch stats) + ReLU
    y = jax.nn.relu(_bn(h @ W_pw0 + b_pw0, g_pw0, be_pw0, (0, 1, 2)))
    y = jax.nn.relu(_bn(y @ W_pw1 + b_pw1, g_pw1, be_pw1, (0, 1, 2)))
    y = _bn(y @ W_pw2 + b_pw2, g_pw2, be_pw2, (0, 1, 2))
    # cosine window on (squared) distances, faithful to original
    c = 0.5 * (jnp.cos(d * np.pi / RADIUS) + 1.0)
    c = c * (d <= RADIUS) * (d > 0.0)
    y = y * c[..., None]
    y = jnp.sum(y, axis=2)  # (B, Nq, 256)
    # global 1x1 Conv1d + BatchNorm1d + ReLU stack
    y = jax.nn.relu(_bn(y @ W_g0 + b_g0, g_g0, be_g0, (0, 1)))
    y = jax.nn.relu(_bn(y @ W_g1 + b_g1, g_g1, be_g1, (0, 1)))
    y = y @ W_g2 + b_g2
    return y  # (B, Nq, 3)


def reference(p_query, p_context, h_context, W_raise, b_raise,
              W_pw0, b_pw0, g_pw0, be_pw0,
              W_pw1, b_pw1, g_pw1, be_pw1,
              W_pw2, b_pw2, g_pw2, be_pw2,
              W_g0, b_g0, g_g0, be_g0,
              W_g1, b_g1, g_g1, be_g1,
              W_g2, b_g2):
    return _forward(p_query, p_context, h_context, W_raise, b_raise,
                    W_pw0, b_pw0, g_pw0, be_pw0,
                    W_pw1, b_pw1, g_pw1, be_pw1,
                    W_pw2, b_pw2, g_pw2, be_pw2,
                    W_g0, b_g0, g_g0, be_g0,
                    W_g1, b_g1, g_g1, be_g1,
                    W_g2, b_g2)

if __name__ == "__main__":
    import jax
    _d = setup_inputs()
    print(jax.jit(kernel)(*tuple(_d.values())))

</pallas_src>

<mosaic_0001>
#map = affine_map<(d0, d1) -> (0, 0)>
#map1 = affine_map<(d0, d1) -> (0)>
module attributes {stable_mosaic.version = 14 : i64} {
  func.func @kern(%arg0: i32, %arg1: i32, %arg2: memref<32768x128xf32, #tpu.memory_space<hbm>>, %arg3: memref<32768x128xf32, #tpu.memory_space<hbm>>, %arg4: memref<131072xi32, #tpu.memory_space<hbm>>, %arg5: memref<131072x128xf32, #tpu.memory_space<hbm>>, %arg6: memref<131072x128xf32, #tpu.memory_space<hbm>>, %arg7: memref<128xi32, #tpu.memory_space<vmem>>, %arg8: memref<128x128xf32, #tpu.memory_space<vmem>>, %arg9: memref<128x128xf32, #tpu.memory_space<vmem>>, %arg10: memref<!tpu.dma_semaphore, #tpu.memory_space<semaphore_mem>>, %arg11: memref<!tpu.dma_semaphore, #tpu.memory_space<semaphore_mem>>) attributes {dimension_semantics = [#tpu.dimension_semantics<core_parallel>, #tpu.dimension_semantics<subcore_parallel>], iteration_bounds = array<i64: 2, 16>, scalar_prefetch = 0 : i64, scratch_operands = 5 : i64, tpu.core_type = #tpu.core_type<sc_vector_subcore>, window_params = [{transform_indices = #map}, {transform_indices = #map}, {transform_indices = #map1}, {transform_indices = #map}, {transform_indices = #map}]} {
    %mul3A = arith.constant 2 : i32
    %mul3A_0 = arith.muli %arg1, %mul3A : i32
    %add3A = arith.addi %mul3A_0, %arg0 : i32
    %mul3A_1 = arith.constant 4096 : i32
    %mul3A_2 = arith.muli %add3A, %mul3A_1 : i32
    %scan3A = arith.constant 0 : i32
    %scan3A_3 = arith.constant 0 : i32
    %scan3A_4 = arith.constant 32 : i32
    %scan3A_5 = arith.addi %scan3A_3, %scan3A_4 : i32
    %scan3A_6 = arith.constant 1 : i32
    scf.for %scan3A_8 = %scan3A_3 to %scan3A_5 step %scan3A_6  : i32 {
      %mul3A_9 = arith.constant 128 : i32
      %mul3A_10 = arith.muli %scan3A_8, %mul3A_9 : i32
      %add3A_11 = arith.addi %mul3A_2, %mul3A_10 : i32
      "tpu.region"() ({
        %run_scoped3A = tpu.sem_alloc : memref<!tpu.dma_semaphore, #tpu.memory_space<semaphore_mem>>
        %dma_start3A_22 = tpu.memref_slice %arg4[%add3A_11] : memref<131072xi32, #tpu.memory_space<hbm>> -> memref<128xi32, #tpu.memory_space<hbm>>
        %dma_start3A_23 = tpu.memref_slice %arg4[%add3A_11] : memref<131072xi32, #tpu.memory_space<hbm>> -> memref<128xi32, #tpu.memory_space<hbm>>
        tpu.enqueue_dma source(%dma_start3A_23 : memref<128xi32, #tpu.memory_space<hbm>>) target(%arg7 : memref<128xi32, #tpu.memory_space<vmem>>) target_semaphore(%run_scoped3A : memref<!tpu.dma_semaphore, #tpu.memory_space<semaphore_mem>>)
        %dma_wait3A_24 = tpu.memref_slice %arg4[%add3A_11] : memref<131072xi32, #tpu.memory_space<hbm>> -> memref<128xi32, #tpu.memory_space<hbm>>
        %dma_wait3A_25 = tpu.memref_slice %arg4[%add3A_11] : memref<131072xi32, #tpu.memory_space<hbm>> -> memref<128xi32, #tpu.memory_space<hbm>>
        tpu.wait_dma2 semaphore(%run_scoped3A : memref<!tpu.dma_semaphore, #tpu.memory_space<semaphore_mem>>) src(%dma_wait3A_25 : memref<128xi32, #tpu.memory_space<hbm>>) dst(%arg7 : memref<128xi32, #tpu.memory_space<vmem>>)
        tpu.yield
      }) : () -> ()
      %dma_start3A = arith.constant 0 : i32
      %dma_start3A_12 = arith.constant 0 : i32
      %dma_start3A_13 = tpu.memref_slice %arg2[%dma_start3A, %dma_start3A_12] : memref<32768x128xf32, #tpu.memory_space<hbm>> -> memref<32768x128xf32, #tpu.memory_space<hbm>>
      tpu.enqueue_indirect_dma source(%dma_start3A_13 : memref<32768x128xf32, #tpu.memory_space<hbm>>) target(%arg8 : memref<128x128xf32, #tpu.memory_space<vmem>>) offsets(%arg7 : memref<128xi32, #tpu.memory_space<vmem>>) semaphore(%arg10 : memref<!tpu.dma_semaphore, #tpu.memory_space<semaphore_mem>>)
      %dma_start3A_14 = arith.constant 0 : i32
      %dma_start3A_15 = arith.constant 0 : i32
      %dma_start3A_16 = tpu.memref_slice %arg3[%dma_start3A_14, %dma_start3A_15] : memref<32768x128xf32, #tpu.memory_space<hbm>> -> memref<32768x128xf32, #tpu.memory_space<hbm>>
      tpu.enqueue_indirect_dma source(%dma_start3A_16 : memref<32768x128xf32, #tpu.memory_space<hbm>>) target(%arg9 : memref<128x128xf32, #tpu.memory_space<vmem>>) offsets(%arg7 : memref<128xi32, #tpu.memory_space<vmem>>) semaphore(%arg11 : memref<!tpu.dma_semaphore, #tpu.memory_space<semaphore_mem>>)
      %dma_wait3A = arith.constant 0 : i32
      %dma_wait3A_17 = arith.constant 0 : i32
      %dma_wait3A_18 = tpu.memref_slice %arg2[%dma_wait3A, %dma_wait3A_17] : memref<32768x128xf32, #tpu.memory_space<hbm>> -> memref<32768x128xf32, #tpu.memory_space<hbm>>
      tpu.wait_indirect_dma semaphore(%arg10 : memref<!tpu.dma_semaphore, #tpu.memory_space<semaphore_mem>>) src(%dma_wait3A_18 : memref<32768x128xf32, #tpu.memory_space<hbm>>) dst(%arg8 : memref<128x128xf32, #tpu.memory_space<vmem>>)
      %dma_wait3A_19 = arith.constant 0 : i32
      %dma_wait3A_20 = arith.constant 0 : i32
      %dma_wait3A_21 = tpu.memref_slice %arg3[%dma_wait3A_19, %dma_wait3A_20] : memref<32768x128xf32, #tpu.memory_space<hbm>> -> memref<32768x128xf32, #tpu.memory_space<hbm>>
      tpu.wait_indirect_dma semaphore(%arg11 : memref<!tpu.dma_semaphore, #tpu.memory_space<semaphore_mem>>) src(%dma_wait3A_21 : memref<32768x128xf32, #tpu.memory_space<hbm>>) dst(%arg9 : memref<128x128xf32, #tpu.memory_space<vmem>>)
      "tpu.region"() ({
        %run_scoped3A = tpu.sem_alloc : memref<!tpu.dma_semaphore, #tpu.memory_space<semaphore_mem>>
        %dma_start3A_22 = arith.constant 0 : i32
        %dma_start3A_23 = tpu.memref_slice %arg5[%add3A_11, %dma_start3A_22] : memref<131072x128xf32, #tpu.memory_space<hbm>> -> memref<128x128xf32, #tpu.memory_space<hbm>>
        %dma_start3A_24 = arith.constant 0 : i32
        %dma_start3A_25 = tpu.memref_slice %arg5[%add3A_11, %dma_start3A_24] : memref<131072x128xf32, #tpu.memory_space<hbm>> -> memref<128x128xf32, #tpu.memory_space<hbm>>
        tpu.enqueue_dma source(%arg8 : memref<128x128xf32, #tpu.memory_space<vmem>>) target(%dma_start3A_25 : memref<128x128xf32, #tpu.memory_space<hbm>>) target_semaphore(%run_scoped3A : memref<!tpu.dma_semaphore, #tpu.memory_space<semaphore_mem>>)
        %dma_wait3A_26 = arith.constant 0 : i32
        %dma_wait3A_27 = tpu.memref_slice %arg5[%add3A_11, %dma_wait3A_26] : memref<131072x128xf32, #tpu.memory_space<hbm>> -> memref<128x128xf32, #tpu.memory_space<hbm>>
        %dma_wait3A_28 = arith.constant 0 : i32
        %dma_wait3A_29 = tpu.memref_slice %arg5[%add3A_11, %dma_wait3A_28] : memref<131072x128xf32, #tpu.memory_space<hbm>> -> memref<128x128xf32, #tpu.memory_space<hbm>>
        tpu.wait_dma2 semaphore(%run_scoped3A : memref<!tpu.dma_semaphore, #tpu.memory_space<semaphore_mem>>) src(%arg8 : memref<128x128xf32, #tpu.memory_space<vmem>>) dst(%dma_wait3A_29 : memref<128x128xf32, #tpu.memory_space<hbm>>)
        tpu.yield
      }) : () -> ()
      "tpu.region"() ({
        %run_scoped3A = tpu.sem_alloc : memref<!tpu.dma_semaphore, #tpu.memory_space<semaphore_mem>>
        %dma_start3A_22 = arith.constant 0 : i32
        %dma_start3A_23 = tpu.memref_slice %arg6[%add3A_11, %dma_start3A_22] : memref<131072x128xf32, #tpu.memory_space<hbm>> -> memref<128x128xf32, #tpu.memory_space<hbm>>
        %dma_start3A_24 = arith.constant 0 : i32
        %dma_start3A_25 = tpu.memref_slice %arg6[%add3A_11, %dma_start3A_24] : memref<131072x128xf32, #tpu.memory_space<hbm>> -> memref<128x128xf32, #tpu.memory_space<hbm>>
        tpu.enqueue_dma source(%arg9 : memref<128x128xf32, #tpu.memory_space<vmem>>) target(%dma_start3A_25 : memref<128x128xf32, #tpu.memory_space<hbm>>) target_semaphore(%run_scoped3A : memref<!tpu.dma_semaphore, #tpu.memory_space<semaphore_mem>>)
        %dma_wait3A_26 = arith.constant 0 : i32
        %dma_wait3A_27 = tpu.memref_slice %arg6[%add3A_11, %dma_wait3A_26] : memref<131072x128xf32, #tpu.memory_space<hbm>> -> memref<128x128xf32, #tpu.memory_space<hbm>>
        %dma_wait3A_28 = arith.constant 0 : i32
        %dma_wait3A_29 = tpu.memref_slice %arg6[%add3A_11, %dma_wait3A_28] : memref<131072x128xf32, #tpu.memory_space<hbm>> -> memref<128x128xf32, #tpu.memory_space<hbm>>
        tpu.wait_dma2 semaphore(%run_scoped3A : memref<!tpu.dma_semaphore, #tpu.memory_space<semaphore_mem>>) src(%arg9 : memref<128x128xf32, #tpu.memory_space<vmem>>) dst(%dma_wait3A_29 : memref<128x128xf32, #tpu.memory_space<hbm>>)
        tpu.yield
      }) : () -> ()
    }
    %scan3A_7 = arith.constant 32 : i32
    return
  }
}

module attributes {stable_mosaic.version = 14 : i64} {
  func.func @_knn_body(%arg0: i32, %arg1: memref<128x8xf32, #tpu.memory_space<vmem>>, %arg2: memref<1x8x8192xf32, #tpu.memory_space<vmem>>, %arg3: memref<128x32xi32, #tpu.memory_space<vmem>>, %arg4: memref<128x32xf32, #tpu.memory_space<vmem>>) attributes {dimension_semantics = [#tpu.dimension_semantics<parallel>], iteration_bounds = array<i64: 32>, scalar_prefetch = 0 : i64, scratch_operands = 0 : i64, tpu.core_type = #tpu.core_type<tc>, window_params = [{transform_indices = @transform_0, window_bounds = array<i64: 128, 8>}, {transform_indices = @transform_1, window_bounds = array<i64: 1, 8, 8192>}, {transform_indices = @transform_2, window_bounds = array<i64: 128, 32>}, {transform_indices = @transform_3, window_bounds = array<i64: 128, 32>}]} {
    %jit3A = arith.constant 8 : i32
    %div3A = arith.divsi %arg0, %jit3A : i32
    %sign3A = arith.constant 0 : i32
    %sign3A_0 = arith.cmpi sgt, %arg0, %sign3A : i32
    %sign3A_1 = arith.extui %sign3A_0 : i1 to i32
    %sign3A_2 = arith.constant 0 : i32
    %sign3A_3 = arith.cmpi slt, %arg0, %sign3A_2 : i32
    %sign3A_4 = arith.extui %sign3A_3 : i1 to i32
    %sign3A_5 = arith.subi %sign3A_1, %sign3A_4 : i32
    %sign3A_6 = arith.constant 0 : i32
    %sign3A_7 = arith.cmpi sgt, %jit3A, %sign3A_6 : i32
    %sign3A_8 = arith.extui %sign3A_7 : i1 to i32
    %sign3A_9 = arith.constant 0 : i32
    %sign3A_10 = arith.cmpi slt, %jit3A, %sign3A_9 : i32
    %sign3A_11 = arith.extui %sign3A_10 : i1 to i32
    %sign3A_12 = arith.subi %sign3A_8, %sign3A_11 : i32
    %ne3A = arith.cmpi ne, %sign3A_5, %sign3A_12 : i32
    %rem3A = arith.remsi %arg0, %jit3A : i32
    %ne3A_13 = arith.constant 0 : i32
    %ne3A_14 = arith.cmpi ne, %rem3A, %ne3A_13 : i32
    %and3A = arith.andi %ne3A, %ne3A_14 : i1
    %sub3A = arith.constant 1 : i32
    %sub3A_15 = arith.subi %div3A, %sub3A : i32
    %select_n3A = arith.select %and3A, %sub3A_15, %div3A : i32
    %get3A = arith.constant 0 : index
    %get3A_16 = arith.constant 0 : index
    %get3A_17 = vector.load %arg1[%get3A, %get3A_16] : memref<128x8xf32, #tpu.memory_space<vmem>>, vector<128x8xf32>
    %get3A_18 = arith.constant 0 : index
    %get3A_19 = arith.constant 0 : index
    %get3A_20 = arith.constant 0 : index
    %get3A_21 = vector.load %arg2[%get3A_18, %get3A_19, %get3A_20] : memref<1x8x8192xf32, #tpu.memory_space<vmem>>, vector<1x8x8192xf32>
    %get3A_22 = vector.shape_cast %get3A_21 : vector<1x8x8192xf32> to vector<8x8192xf32>
    %mul3A = arith.mulf %get3A_17, %get3A_17 : vector<128x8xf32>
    %reduce_sum3A = arith.constant dense<0.000000e+00> : vector<128xf32>
    %reduce_sum3A_23 = vector.multi_reduction <add>, %mul3A, %reduce_sum3A [1] : vector<128x8xf32> to vector<128xf32>
    %broadcast_in_dim3A = vector.shape_cast %reduce_sum3A_23 : vector<128xf32> to vector<128x1xf32>
    %mul3A_24 = arith.mulf %get3A_22, %get3A_22 : vector<8x8192xf32>
    %reduce_sum3A_25 = arith.constant dense<0.000000e+00> : vector<8192xf32>
    %reduce_sum3A_26 = vector.multi_reduction <add>, %mul3A_24, %reduce_sum3A_25 [0] : vector<8x8192xf32> to vector<8192xf32>
    %broadcast_in_dim3A_27 = vector.shape_cast %reduce_sum3A_26 : vector<8192xf32> to vector<1x8192xf32>
    %dot_general3A = arith.constant dense<0.000000e+00> : vector<128x8192xf32>
    %dot_general3A_28 = tpu.matmul %get3A_17, %get3A_22, %dot_general3A {dimension_numbers = #tpu.dot_dimension_numbers<[1], [0], [0], [1], [0, 0, 1, 1], [], []>, transpose_lhs_hint = false} : vector<128x8xf32>, vector<8x8192xf32>, vector<128x8192xf32> -> vector<128x8192xf32>
    %add3A = vector.broadcast %broadcast_in_dim3A : vector<128x1xf32> to vector<128x8192xf32>
    %add3A_29 = vector.broadcast %broadcast_in_dim3A_27 : vector<1x8192xf32> to vector<128x8192xf32>
    %add3A_30 = arith.addf %add3A, %add3A_29 : vector<128x8192xf32>
    %mul3A_31 = arith.constant 2.000000e+00 : f32
    %mul3A_32 = vector.broadcast %mul3A_31 : f32 to vector<128x8192xf32>
    %mul3A_33 = arith.mulf %mul3A_32, %dot_general3A_28 : vector<128x8192xf32>
    %sub3A_34 = arith.subf %add3A_30, %mul3A_33 : vector<128x8192xf32>
    %max3A = arith.constant 0.000000e+00 : f32
    %max3A_35 = vector.broadcast %max3A : f32 to vector<128x8192xf32>
    %max3A_36 = arith.maximumf %sub3A_34, %max3A_35 : vector<128x8192xf32>
    %iota3A = tpu.iota {dimensions = array<i32: 1>} : vector<128x8192xi32>
    %iota3A_37 = tpu.iota {dimensions = array<i32: 1>} : vector<128x32xi32>
    %broadcast_in_dim3A_38 = arith.constant 0 : i32
    %broadcast_in_dim3A_39 = vector.broadcast %broadcast_in_dim3A_38 : i32 to vector<128x32xi32>
    %broadcast_in_dim3A_40 = arith.constant 0.000000e+00 : f32
    %broadcast_in_dim3A_41 = vector.broadcast %broadcast_in_dim3A_40 : f32 to vector<128x32xf32>
    %scan3A = arith.constant 0 : i32
    %scan3A_42 = arith.constant 32 : i32
    %scan3A_43 = arith.addi %scan3A, %scan3A_42 : i32
    %scan3A_44 = arith.constant 1 : i32
    %scan3A_45:3 = scf.for %scan3A_79 = %scan3A to %scan3A_43 step %scan3A_44 iter_args(%scan3A_80 = %max3A_36, %scan3A_81 = %broadcast_in_dim3A_39, %scan3A_82 = %broadcast_in_dim3A_41) -> (vector<128x8192xf32>, vector<128x32xi32>, vector<128x32xf32>)  : i32 {
      %reduce_min3A = arith.constant dense<0x7F800000> : vector<128xf32>
      %reduce_min3A_83 = vector.multi_reduction <minimumf>, %scan3A_80, %reduce_min3A [1] : vector<128x8192xf32> to vector<128xf32>
      %broadcast_in_dim3A_84 = vector.shape_cast %reduce_min3A_83 : vector<128xf32> to vector<128x1xf32>
      %eq3A = vector.broadcast %broadcast_in_dim3A_84 : vector<128x1xf32> to vector<128x8192xf32>
      %eq3A_85 = arith.cmpf oeq, %scan3A_80, %eq3A : vector<128x8192xf32>
      %jit3A_86 = arith.constant 8192 : i32
      %broadcast_in_dim3A_87 = vector.broadcast %jit3A_86 : i32 to vector<128x8192xi32>
      %select_n3A_88 = arith.select %eq3A_85, %iota3A, %broadcast_in_dim3A_87 : vector<128x8192xi1>, vector<128x8192xi32>
      %reduce_min3A_89 = arith.constant dense<2147483647> : vector<128xi32>
      %reduce_min3A_90 = vector.multi_reduction <minsi>, %select_n3A_88, %reduce_min3A_89 [1] : vector<128x8192xi32> to vector<128xi32>
      %broadcast_in_dim3A_91 = vector.shape_cast %reduce_min3A_90 : vector<128xi32> to vector<128x1xi32>
      %eq3A_92 = vector.broadcast %scan3A_79 : i32 to vector<128x32xi32>
      %eq3A_93 = arith.cmpi eq, %iota3A_37, %eq3A_92 : vector<128x32xi32>
      %broadcast_in_dim3A_94 = vector.shape_cast %broadcast_in_dim3A_91 : vector<128x1xi32> to vector<128x1xi32>
      %broadcast_in_dim3A_95 = vector.broadcast %broadcast_in_dim3A_94 : vector<128x1xi32> to vector<128x32xi32>
      %select_n3A_96 = arith.select %eq3A_93, %broadcast_in_dim3A_95, %scan3A_81 : vector<128x32xi1>, vector<128x32xi32>
      %eq3A_97 = vector.broadcast %scan3A_79 : i32 to vector<128x32xi32>
      %eq3A_98 = arith.cmpi eq, %iota3A_37, %eq3A_97 : vector<128x32xi32>
      %broadcast_in_dim3A_99 = vector.shape_cast %broadcast_in_dim3A_84 : vector<128x1xf32> to vector<128x1xf32>
      %broadcast_in_dim3A_100 = vector.broadcast %broadcast_in_dim3A_99 : vector<128x1xf32> to vector<128x32xf32>
      %select_n3A_101 = arith.select %eq3A_98, %broadcast_in_dim3A_100, %scan3A_82 : vector<128x32xi1>, vector<128x32xf32>
      %eq3A_102 = vector.broadcast %broadcast_in_dim3A_91 : vector<128x1xi32> to vector<128x8192xi32>
      %eq3A_103 = arith.cmpi eq, %iota3A, %eq3A_102 : vector<128x8192xi32>
      %jit3A_104 = arith.constant 1.000000e+30 : f32
      %broadcast_in_dim3A_105 = vector.broadcast %jit3A_104 : f32 to vector<128x8192xf32>
      %select_n3A_106 = arith.select %eq3A_103, %broadcast_in_dim3A_105, %scan3A_80 : vector<128x8192xi1>, vector<128x8192xf32>
      scf.yield %select_n3A_106, %select_n3A_96, %select_n3A_101 : vector<128x8192xf32>, vector<128x32xi32>, vector<128x32xf32>
    }
    %scan3A_46 = arith.constant 32 : i32
    %le3A = arith.constant 2.500000e-01 : f32
    %le3A_47 = vector.broadcast %le3A : f32 to vector<128x32xf32>
    %le3A_48 = arith.cmpf ole, %scan3A_45#2, %le3A_47 : vector<128x32xf32>
    %jit3A_49 = arith.constant 0 : i32
    %broadcast_in_dim3A_50 = vector.broadcast %jit3A_49 : i32 to vector<128x32xi32>
    %select_n3A_51 = arith.select %le3A_48, %scan3A_45#1, %broadcast_in_dim3A_50 : vector<128x32xi1>, vector<128x32xi32>
    %jit3A_52 = arith.constant 0.000000e+00 : f32
    %broadcast_in_dim3A_53 = vector.broadcast %jit3A_52 : f32 to vector<128x32xf32>
    %select_n3A_54 = arith.select %le3A_48, %scan3A_45#2, %broadcast_in_dim3A_53 : vector<128x32xi1>, vector<128x32xf32>
    %mul3A_55 = arith.constant 8192 : i32
    %mul3A_56 = arith.muli %select_n3A, %mul3A_55 : i32
    %add3A_57 = vector.broadcast %mul3A_56 : i32 to vector<128x32xi32>
    %add3A_58 = arith.addi %select_n3A_51, %add3A_57 : vector<128x32xi32>
    %swap3A = arith.constant 0 : index
    %swap3A_59 = arith.constant 0 : index
    %swap3A_60 = vector.load %arg3[%swap3A, %swap3A_59] : memref<128x32xi32, #tpu.memory_space<vmem>>, vector<128x32xi32>
    tpu.vector_store %arg3[%swap3A, %swap3A_59], %add3A_58 {strides = array<i32>} : memref<128x32xi32, #tpu.memory_space<vmem>>, vector<128x32xi32>,
    %mul3A_61 = arith.constant 6.28318548 : f32
    %mul3A_62 = vector.broadcast %mul3A_61 : f32 to vector<128x32xf32>
    %mul3A_63 = arith.mulf %select_n3A_54, %mul3A_62 : vector<128x32xf32>
    %cos3A = math.cos %mul3A_63 : vector<128x32xf32>
    %add3A_64 = arith.constant 1.000000e+00 : f32
    %add3A_65 = vector.broadcast %add3A_64 : f32 to vector<128x32xf32>
    %add3A_66 = arith.addf %cos3A, %add3A_65 : vector<128x32xf32>
    %mul3A_67 = arith.constant 5.000000e-01 : f32
    %mul3A_68 = vector.broadcast %mul3A_67 : f32 to vector<128x32xf32>
    %mul3A_69 = arith.mulf %mul3A_68, %add3A_66 : vector<128x32xf32>
    %gt3A = arith.constant 0.000000e+00 : f32
    %gt3A_70 = vector.broadcast %gt3A : f32 to vector<128x32xf32>
    %gt3A_71 = arith.cmpf ogt, %select_n3A_54, %gt3A_70 : vector<128x32xf32>
    %and3A_72 = arith.andi %gt3A_71, %le3A_48 : vector<128x32xi1>
    %jit3A_73 = arith.constant 0.000000e+00 : f32
    %broadcast_in_dim3A_74 = vector.broadcast %jit3A_73 : f32 to vector<128x32xf32>
    %select_n3A_75 = arith.select %and3A_72, %mul3A_69, %broadcast_in_dim3A_74 : vector<128x32xi1>, vector<128x32xf32>
    %swap3A_76 = arith.constant 0 : index
    %swap3A_77 = arith.constant 0 : index
    %swap3A_78 = vector.load %arg4[%swap3A_76, %swap3A_77] : memref<128x32xf32, #tpu.memory_space<vmem>>, vector<128x32xf32>
    tpu.vector_store %arg4[%swap3A_76, %swap3A_77], %select_n3A_75 {strides = array<i32>} : memref<128x32xf32, #tpu.memory_space<vmem>>, vector<128x32xf32>,
    return
  }
  func.func @transform_0(%arg0: i32) -> (i32, i32) {
    %c0_i32 = arith.constant 0 : i32
    %c0_i32_0 = arith.constant 0 : i32
    return %arg0, %c0_i32 : i32, i32
  }
  func.func @transform_1(%arg0: i32) -> (i32, i32, i32) {
    %jit3A = arith.constant 8 : i32
    %div3A = arith.divsi %arg0, %jit3A : i32
    %sign3A = arith.constant 0 : i32
    %sign3A_0 = arith.cmpi sgt, %arg0, %sign3A : i32
    %sign3A_1 = arith.extui %sign3A_0 : i1 to i32
    %sign3A_2 = arith.constant 0 : i32
    %sign3A_3 = arith.cmpi slt, %arg0, %sign3A_2 : i32
    %sign3A_4 = arith.extui %sign3A_3 : i1 to i32
    %sign3A_5 = arith.subi %sign3A_1, %sign3A_4 : i32
    %sign3A_6 = arith.constant 0 : i32
    %sign3A_7 = arith.cmpi sgt, %jit3A, %sign3A_6 : i32
    %sign3A_8 = arith.extui %sign3A_7 : i1 to i32
    %sign3A_9 = arith.constant 0 : i32
    %sign3A_10 = arith.cmpi slt, %jit3A, %sign3A_9 : i32
    %sign3A_11 = arith.extui %sign3A_10 : i1 to i32
    %sign3A_12 = arith.subi %sign3A_8, %sign3A_11 : i32
    %ne3A = arith.cmpi ne, %sign3A_5, %sign3A_12 : i32
    %rem3A = arith.remsi %arg0, %jit3A : i32
    %ne3A_13 = arith.constant 0 : i32
    %ne3A_14 = arith.cmpi ne, %rem3A, %ne3A_13 : i32
    %and3A = arith.andi %ne3A, %ne3A_14 : i1
    %sub3A = arith.constant 1 : i32
    %sub3A_15 = arith.subi %div3A, %sub3A : i32
    %select_n3A = arith.select %and3A, %sub3A_15, %div3A : i32
    %c0_i32 = arith.constant 0 : i32
    %c0_i32_16 = arith.constant 0 : i32
    %c0_i32_17 = arith.constant 0 : i32
    return %select_n3A, %c0_i32, %c0_i32_16 : i32, i32, i32
  }
  func.func @transform_2(%arg0: i32) -> (i32, i32) {
    %c0_i32 = arith.constant 0 : i32
    %c0_i32_0 = arith.constant 0 : i32
    return %arg0, %c0_i32 : i32, i32
  }
  func.func @transform_3(%arg0: i32) -> (i32, i32) {
    %c0_i32 = arith.constant 0 : i32
    %c0_i32_0 = arith.constant 0 : i32
    return %arg0, %c0_i32 : i32, i32
  }
}

module attributes {stable_mosaic.version = 14 : i64} {
  func.func @_mlp0_body(%arg0: i32, %arg1: i32, %arg2: memref<2048x128xf32, #tpu.memory_space<vmem>>, %arg3: memref<2048x128xf32, #tpu.memory_space<vmem>>, %arg4: memref<2048x16xf32, #tpu.memory_space<vmem>>, %arg5: memref<16x64xf32, #tpu.memory_space<vmem>>, %arg6: memref<1x64xf32, #tpu.memory_space<vmem>>, %arg7: memref<64x128xf32, #tpu.memory_space<vmem>>, %arg8: memref<128x128xf32, #tpu.memory_space<vmem>>, %arg9: memref<1x128xf32, #tpu.memory_space<vmem>>, %arg10: memref<2048x128xf32, #tpu.memory_space<vmem>>, %arg11: memref<1x8x128xf32, #tpu.memory_space<vmem>>) attributes {dimension_semantics = [#tpu.dimension_semantics<parallel>, #tpu.dimension_semantics<arbitrary>], iteration_bounds = array<i64: 2, 32>, scalar_prefetch = 0 : i64, scratch_operands = 0 : i64, tpu.core_type = #tpu.core_type<tc>, window_params = [{transform_indices = @transform_0, window_bounds = array<i64: 2048, 128>}, {transform_indices = @transform_1, window_bounds = array<i64: 2048, 128>}, {transform_indices = @transform_2, window_bounds = array<i64: 2048, 16>}, {pipeline_mode = #tpu.pipeline_mode<synchronous>, transform_indices = @transform_3, window_bounds = array<i64: 16, 64>}, {pipeline_mode = #tpu.pipeline_mode<synchronous>, transform_indices = @transform_4, window_bounds = array<i64: 1, 64>}, {pipeline_mode = #tpu.pipeline_mode<synchronous>, transform_indices = @transform_5, window_bounds = array<i64: 64, 128>}, {pipeline_mode = #tpu.pipeline_mode<synchronous>, transform_indices = @transform_6, window_bounds = array<i64: 128, 128>}, {pipeline_mode = #tpu.pipeline_mode<synchronous>, transform_indices = @transform_7, window_bounds = array<i64: 1, 128>}, {transform_indices = @transform_8, window_bounds = array<i64: 2048, 128>}, {transform_indices = @transform_9, window_bounds = array<i64: 1, 8, 128>}]} {
    %get3A = arith.constant 0 : index
    %get3A_0 = arith.constant 0 : index
    %get3A_1 = vector.load %arg3[%get3A, %get3A_0] : memref<2048x128xf32, #tpu.memory_space<vmem>>, vector<2048x128xf32>
    %slice3A = vector.extract_strided_slice %get3A_1 {offsets = [0, 0], sizes = [2048, 16], strides = [1, 1]} : vector<2048x128xf32> to vector<2048x16xf32>
    %get3A_2 = arith.constant 0 : index
    %get3A_3 = arith.constant 0 : index
    %get3A_4 = vector.load %arg4[%get3A_2, %get3A_3] : memref<2048x16xf32, #tpu.memory_space<vmem>>, vector<2048x16xf32>
    %sub3A = arith.subf %slice3A, %get3A_4 : vector<2048x16xf32>
    %get3A_5 = arith.constant 0 : index
    %get3A_6 = arith.constant 0 : index
    %get3A_7 = vector.load %arg5[%get3A_5, %get3A_6] : memref<16x64xf32, #tpu.memory_space<vmem>>, vector<16x64xf32>
    %dot_general3A = arith.constant dense<0.000000e+00> : vector<2048x64xf32>
    %dot_general3A_8 = tpu.matmul %sub3A, %get3A_7, %dot_general3A {dimension_numbers = #tpu.dot_dimension_numbers<[1], [0], [0], [1], [0, 0, 1, 1], [], []>, transpose_lhs_hint = false} : vector<2048x16xf32>, vector<16x64xf32>, vector<2048x64xf32> -> vector<2048x64xf32>
    %get3A_9 = arith.constant 0 : index
    %get3A_10 = arith.constant 0 : index
    %get3A_11 = vector.load %arg6[%get3A_9, %get3A_10] : memref<1x64xf32, #tpu.memory_space<vmem>>, vector<1x64xf32>
    %add3A = vector.broadcast %get3A_11 : vector<1x64xf32> to vector<2048x64xf32>
    %add3A_12 = arith.addf %dot_general3A_8, %add3A : vector<2048x64xf32>
    %get3A_13 = arith.constant 0 : index
    %get3A_14 = arith.constant 0 : index
    %get3A_15 = vector.load %arg7[%get3A_13, %get3A_14] : memref<64x128xf32, #tpu.memory_space<vmem>>, vector<64x128xf32>
    %dot_general3A_16 = arith.constant dense<0.000000e+00> : vector<2048x128xf32>
    %dot_general3A_17 = tpu.matmul %add3A_12, %get3A_15, %dot_general3A_16 {dimension_numbers = #tpu.dot_dimension_numbers<[1], [0], [0], [1], [0, 0, 1, 1], [], []>, transpose_lhs_hint = false} : vector<2048x64xf32>, vector<64x128xf32>, vector<2048x128xf32> -> vector<2048x128xf32>
    %get3A_18 = arith.constant 0 : index
    %get3A_19 = arith.constant 0 : index
    %get3A_20 = vector.load %arg2[%get3A_18, %get3A_19] : memref<2048x128xf32, #tpu.memory_space<vmem>>, vector<2048x128xf32>
    %get3A_21 = arith.constant 0 : index
    %get3A_22 = arith.constant 0 : index
    %get3A_23 = vector.load %arg8[%get3A_21, %get3A_22] : memref<128x128xf32, #tpu.memory_space<vmem>>, vector<128x128xf32>
    %dot_general3A_24 = arith.constant dense<0.000000e+00> : vector<2048x128xf32>
    %dot_general3A_25 = tpu.matmul %get3A_20, %get3A_23, %dot_general3A_24 {dimension_numbers = #tpu.dot_dimension_numbers<[1], [0], [0], [1], [0, 0, 1, 1], [], []>, transpose_lhs_hint = false} : vector<2048x128xf32>, vector<128x128xf32>, vector<2048x128xf32> -> vector<2048x128xf32>
    %add3A_26 = arith.addf %dot_general3A_17, %dot_general3A_25 : vector<2048x128xf32>
    %get3A_27 = arith.constant 0 : index
    %get3A_28 = arith.constant 0 : index
    %get3A_29 = vector.load %arg9[%get3A_27, %get3A_28] : memref<1x128xf32, #tpu.memory_space<vmem>>, vector<1x128xf32>
    %add3A_30 = vector.broadcast %get3A_29 : vector<1x128xf32> to vector<2048x128xf32>
    %add3A_31 = arith.addf %add3A_26, %add3A_30 : vector<2048x128xf32>
    %swap3A = arith.constant 0 : index
    %swap3A_32 = arith.constant 0 : index
    %swap3A_33 = vector.load %arg10[%swap3A, %swap3A_32] : memref<2048x128xf32, #tpu.memory_space<vmem>>, vector<2048x128xf32>
    tpu.vector_store %arg10[%swap3A, %swap3A_32], %add3A_31 {strides = array<i32>} : memref<2048x128xf32, #tpu.memory_space<vmem>>, vector<2048x128xf32>,
    %eq3A = arith.constant 0 : i32
    %eq3A_34 = arith.cmpi eq, %arg1, %eq3A : i32
    %convert_element_type3A = arith.extui %eq3A_34 : i1 to i32
    %cond3A = arith.constant 0 : i32
    %cond3A_35 = arith.cmpi ne, %convert_element_type3A, %cond3A : i32
    scf.if %cond3A_35 {
      %broadcast_in_dim3A_52 = arith.constant 0.000000e+00 : f32
      %broadcast_in_dim3A_53 = vector.broadcast %broadcast_in_dim3A_52 : f32 to vector<1x8x128xf32>
      %swap3A_54 = arith.constant 0 : index
      %swap3A_55 = arith.constant 0 : index
      %swap3A_56 = arith.constant 0 : index
      %swap3A_57 = vector.load %arg11[%swap3A_54, %swap3A_55, %swap3A_56] : memref<1x8x128xf32, #tpu.memory_space<vmem>>, vector<1x8x128xf32>
      tpu.vector_store %arg11[%swap3A_54, %swap3A_55, %swap3A_56], %broadcast_in_dim3A_53 {strides = array<i32>} : memref<1x8x128xf32, #tpu.memory_space<vmem>>, vector<1x8x128xf32>,
    } else {
    }
    %reduce_sum3A = arith.constant dense<0.000000e+00> : vector<128xf32>
    %reduce_sum3A_36 = vector.multi_reduction <add>, %add3A_31, %reduce_sum3A [0] : vector<2048x128xf32> to vector<128xf32>
    %broadcast_in_dim3A = vector.shape_cast %reduce_sum3A_36 : vector<128xf32> to vector<1x128xf32>
    %mul3A = arith.mulf %add3A_31, %add3A_31 : vector<2048x128xf32>
    %reduce_sum3A_37 = arith.constant dense<0.000000e+00> : vector<128xf32>
    %reduce_sum3A_38 = vector.multi_reduction <add>, %mul3A, %reduce_sum3A_37 [0] : vector<2048x128xf32> to vector<128xf32>
    %broadcast_in_dim3A_39 = vector.shape_cast %reduce_sum3A_38 : vector<128xf32> to vector<1x128xf32>
    %get3A_40 = arith.constant 0 : index
    %get3A_41 = arith.constant 0 : index
    %get3A_42 = arith.constant 0 : index
    %get3A_43 = vector.load %arg11[%get3A_40, %get3A_41, %get3A_42] : memref<1x8x128xf32, #tpu.memory_space<vmem>>, vector<1x8x128xf32>
    %broadcast_in_dim3A_44 = arith.constant 0.000000e+00 : f32
    %broadcast_in_dim3A_45 = vector.broadcast %broadcast_in_dim3A_44 : f32 to vector<6x128xf32>
    %concatenate3A = tpu.concatenate %broadcast_in_dim3A, %broadcast_in_dim3A_39, %broadcast_in_dim3A_45 in 0 : vector<1x128xf32>, vector<1x128xf32>, vector<6x128xf32> -> vector<8x128xf32>
    %broadcast_in_dim3A_46 = vector.shape_cast %concatenate3A : vector<8x128xf32> to vector<1x8x128xf32>
    %add3A_47 = arith.addf %get3A_43, %broadcast_in_dim3A_46 : vector<1x8x128xf32>
    %swap3A_48 = arith.constant 0 : index
    %swap3A_49 = arith.constant 0 : index
    %swap3A_50 = arith.constant 0 : index
    %swap3A_51 = vector.load %arg11[%swap3A_48, %swap3A_49, %swap3A_50] : memref<1x8x128xf32, #tpu.memory_space<vmem>>, vector<1x8x128xf32>
    tpu.vector_store %arg11[%swap3A_48, %swap3A_49, %swap3A_50], %add3A_47 {strides = array<i32>} : memref<1x8x128xf32, #tpu.memory_space<vmem>>, vector<1x8x128xf32>,
    return
  }
  func.func @transform_0(%arg0: i32, %arg1: i32) -> (i32, i32) {
    %mul3A = arith.constant 32 : i32
    %mul3A_0 = arith.muli %arg0, %mul3A : i32
    %add3A = arith.addi %mul3A_0, %arg1 : i32
    %c0_i32 = arith.constant 0 : i32
    %c0_i32_1 = arith.constant 0 : i32
    return %add3A, %c0_i32 : i32, i32
  }
  func.func @transform_1(%arg0: i32, %arg1: i32) -> (i32, i32) {
    %mul3A = arith.constant 32 : i32
    %mul3A_0 = arith.muli %arg0, %mul3A : i32
    %add3A = arith.addi %mul3A_0, %arg1 : i32
    %c0_i32 = arith.constant 0 : i32
    %c0_i32_1 = arith.constant 0 : i32
    return %add3A, %c0_i32 : i32, i32
  }
  func.func @transform_2(%arg0: i32, %arg1: i32) -> (i32, i32) {
    %mul3A = arith.constant 32 : i32
    %mul3A_0 = arith.muli %arg0, %mul3A : i32
    %add3A = arith.addi %mul3A_0, %arg1 : i32
    %c0_i32 = arith.constant 0 : i32
    %c0_i32_1 = arith.constant 0 : i32
    return %add3A, %c0_i32 : i32, i32
  }
  func.func @transform_3(%arg0: i32, %arg1: i32) -> (i32, i32) {
    %c0_i32 = arith.constant 0 : i32
    %c0_i32_0 = arith.constant 0 : i32
    %c0_i32_1 = arith.constant 0 : i32
    return %c0_i32, %c0_i32_0 : i32, i32
  }
  func.func @transform_4(%arg0: i32, %arg1: i32) -> (i32, i32) {
    %c0_i32 = arith.constant 0 : i32
    %c0_i32_0 = arith.constant 0 : i32
    %c0_i32_1 = arith.constant 0 : i32
    return %c0_i32, %c0_i32_0 : i32, i32
  }
  func.func @transform_5(%arg0: i32, %arg1: i32) -> (i32, i32) {
    %c0_i32 = arith.constant 0 : i32
    %c0_i32_0 = arith.constant 0 : i32
    %c0_i32_1 = arith.constant 0 : i32
    return %c0_i32, %c0_i32_0 : i32, i32
  }
  func.func @transform_6(%arg0: i32, %arg1: i32) -> (i32, i32) {
    %c0_i32 = arith.constant 0 : i32
    %c0_i32_0 = arith.constant 0 : i32
    %c0_i32_1 = arith.constant 0 : i32
    return %c0_i32, %c0_i32_0 : i32, i32
  }
  func.func @transform_7(%arg0: i32, %arg1: i32) -> (i32, i32) {
    %c0_i32 = arith.constant 0 : i32
    %c0_i32_0 = arith.constant 0 : i32
    %c0_i32_1 = arith.constant 0 : i32
    return %c0_i32, %c0_i32_0 : i32, i32
  }
  func.func @transform_8(%arg0: i32, %arg1: i32) -> (i32, i32) {
    %mul3A = arith.constant 32 : i32
    %mul3A_0 = arith.muli %arg0, %mul3A : i32
    %add3A = arith.addi %mul3A_0, %arg1 : i32
    %c0_i32 = arith.constant 0 : i32
    %c0_i32_1 = arith.constant 0 : i32
    return %add3A, %c0_i32 : i32, i32
  }
  func.func @transform_9(%arg0: i32, %arg1: i32) -> (i32, i32, i32) {
    %c0_i32 = arith.constant 0 : i32
    %c0_i32_0 = arith.constant 0 : i32
    %c0_i32_1 = arith.constant 0 : i32
    return %arg0, %c0_i32, %c0_i32_0 : i32, i32, i32
  }
}

module attributes {stable_mosaic.version = 14 : i64} {
  func.func @_mlp_body(%arg0: i32, %arg1: i32, %arg2: memref<2048x128xf32, #tpu.memory_space<vmem>>, %arg3: memref<2x8x128xf32, #tpu.memory_space<vmem>>, %arg4: memref<1x128xf32, #tpu.memory_space<vmem>>, %arg5: memref<1x128xf32, #tpu.memory_space<vmem>>, %arg6: memref<128x128xf32, #tpu.memory_space<vmem>>, %arg7: memref<1x128xf32, #tpu.memory_space<vmem>>, %arg8: memref<2048x128xf32, #tpu.memory_space<vmem>>, %arg9: memref<1x8x128xf32, #tpu.memory_space<vmem>>) attributes {dimension_semantics = [#tpu.dimension_semantics<parallel>, #tpu.dimension_semantics<arbitrary>], iteration_bounds = array<i64: 2, 32>, scalar_prefetch = 0 : i64, scratch_operands = 0 : i64, tpu.core_type = #tpu.core_type<tc>, window_params = [{transform_indices = @transform_0, window_bounds = array<i64: 2048, 128>}, {pipeline_mode = #tpu.pipeline_mode<synchronous>, transform_indices = @transform_1, window_bounds = array<i64: 2, 8, 128>}, {pipeline_mode = #tpu.pipeline_mode<synchronous>, transform_indices = @transform_2, window_bounds = array<i64: 1, 128>}, {pipeline_mode = #tpu.pipeline_mode<synchronous>, transform_indices = @transform_3, window_bounds = array<i64: 1, 128>}, {pipeline_mode = #tpu.pipeline_mode<synchronous>, transform_indices = @transform_4, window_bounds = array<i64: 128, 128>}, {pipeline_mode = #tpu.pipeline_mode<synchronous>, transform_indices = @transform_5, window_bounds = array<i64: 1, 128>}, {transform_indices = @transform_6, window_bounds = array<i64: 2048, 128>}, {transform_indices = @transform_7, window_bounds = array<i64: 1, 8, 128>}]} {
    %get3A = arith.constant 0 : index
    %get3A_0 = arith.constant 0 : index
    %get3A_1 = arith.constant 0 : index
    %get3A_2 = vector.load %arg3[%get3A, %get3A_0, %get3A_1] : memref<2x8x128xf32, #tpu.memory_space<vmem>>, vector<1x8x128xf32>
    %get3A_3 = vector.shape_cast %get3A_2 : vector<1x8x128xf32> to vector<8x128xf32>
    %get3A_4 = arith.constant 1 : index
    %get3A_5 = arith.constant 0 : index
    %get3A_6 = arith.constant 0 : index
    %get3A_7 = vector.load %arg3[%get3A_4, %get3A_5, %get3A_6] : memref<2x8x128xf32, #tpu.memory_space<vmem>>, vector<1x8x128xf32>
    %get3A_8 = vector.shape_cast %get3A_7 : vector<1x8x128xf32> to vector<8x128xf32>
    %add3A = arith.addf %get3A_3, %get3A_8 : vector<8x128xf32>
    %slice3A = vector.extract_strided_slice %add3A {offsets = [0, 0], sizes = [1, 128], strides = [1, 1]} : vector<8x128xf32> to vector<1x128xf32>
    %div3A = arith.constant 1.310720e+05 : f32
    %div3A_9 = vector.broadcast %div3A : f32 to vector<1x128xf32>
    %div3A_10 = arith.divf %slice3A, %div3A_9 : vector<1x128xf32>
    %slice3A_11 = vector.extract_strided_slice %add3A {offsets = [1, 0], sizes = [1, 128], strides = [1, 1]} : vector<8x128xf32> to vector<1x128xf32>
    %div3A_12 = arith.constant 1.310720e+05 : f32
    %div3A_13 = vector.broadcast %div3A_12 : f32 to vector<1x128xf32>
    %div3A_14 = arith.divf %slice3A_11, %div3A_13 : vector<1x128xf32>
    %mul3A = arith.mulf %div3A_10, %div3A_10 : vector<1x128xf32>
    %sub3A = arith.subf %div3A_14, %mul3A : vector<1x128xf32>
    %get3A_15 = arith.constant 0 : index
    %get3A_16 = arith.constant 0 : index
    %get3A_17 = vector.load %arg2[%get3A_15, %get3A_16] : memref<2048x128xf32, #tpu.memory_space<vmem>>, vector<2048x128xf32>
    %sub3A_18 = vector.broadcast %div3A_10 : vector<1x128xf32> to vector<2048x128xf32>
    %sub3A_19 = arith.subf %get3A_17, %sub3A_18 : vector<2048x128xf32>
    %add3A_20 = arith.constant 9.99999974E-6 : f32
    %add3A_21 = vector.broadcast %add3A_20 : f32 to vector<1x128xf32>
    %add3A_22 = arith.addf %sub3A, %add3A_21 : vector<1x128xf32>
    %rsqrt3A = math.rsqrt %add3A_22 : vector<1x128xf32>
    %mul3A_23 = vector.broadcast %rsqrt3A : vector<1x128xf32> to vector<2048x128xf32>
    %mul3A_24 = arith.mulf %sub3A_19, %mul3A_23 : vector<2048x128xf32>
    %get3A_25 = arith.constant 0 : index
    %get3A_26 = arith.constant 0 : index
    %get3A_27 = vector.load %arg4[%get3A_25, %get3A_26] : memref<1x128xf32, #tpu.memory_space<vmem>>, vector<1x128xf32>
    %mul3A_28 = vector.broadcast %get3A_27 : vector<1x128xf32> to vector<2048x128xf32>
    %mul3A_29 = arith.mulf %mul3A_24, %mul3A_28 : vector<2048x128xf32>
    %get3A_30 = arith.constant 0 : index
    %get3A_31 = arith.constant 0 : index
    %get3A_32 = vector.load %arg5[%get3A_30, %get3A_31] : memref<1x128xf32, #tpu.memory_space<vmem>>, vector<1x128xf32>
    %add3A_33 = vector.broadcast %get3A_32 : vector<1x128xf32> to vector<2048x128xf32>
    %add3A_34 = arith.addf %mul3A_29, %add3A_33 : vector<2048x128xf32>
    %max3A = arith.constant 0.000000e+00 : f32
    %max3A_35 = vector.broadcast %max3A : f32 to vector<2048x128xf32>
    %max3A_36 = arith.maximumf %add3A_34, %max3A_35 : vector<2048x128xf32>
    %get3A_37 = arith.constant 0 : index
    %get3A_38 = arith.constant 0 : index
    %get3A_39 = vector.load %arg6[%get3A_37, %get3A_38] : memref<128x128xf32, #tpu.memory_space<vmem>>, vector<128x128xf32>
    %dot_general3A = arith.constant dense<0.000000e+00> : vector<2048x128xf32>
    %dot_general3A_40 = tpu.matmul %max3A_36, %get3A_39, %dot_general3A {dimension_numbers = #tpu.dot_dimension_numbers<[1], [0], [0], [1], [0, 0, 1, 1], [], []>, transpose_lhs_hint = false} : vector<2048x128xf32>, vector<128x128xf32>, vector<2048x128xf32> -> vector<2048x128xf32>
    %get3A_41 = arith.constant 0 : index
    %get3A_42 = arith.constant 0 : index
    %get3A_43 = vector.load %arg7[%get3A_41, %get3A_42] : memref<1x128xf32, #tpu.memory_space<vmem>>, vector<1x128xf32>
    %add3A_44 = vector.broadcast %get3A_43 : vector<1x128xf32> to vector<2048x128xf32>
    %add3A_45 = arith.addf %dot_general3A_40, %add3A_44 : vector<2048x128xf32>
    %swap3A = arith.constant 0 : index
    %swap3A_46 = arith.constant 0 : index
    %swap3A_47 = vector.load %arg8[%swap3A, %swap3A_46] : memref<2048x128xf32, #tpu.memory_space<vmem>>, vector<2048x128xf32>
    tpu.vector_store %arg8[%swap3A, %swap3A_46], %add3A_45 {strides = array<i32>} : memref<2048x128xf32, #tpu.memory_space<vmem>>, vector<2048x128xf32>,
    %eq3A = arith.constant 0 : i32
    %eq3A_48 = arith.cmpi eq, %arg1, %eq3A : i32
    %convert_element_type3A = arith.extui %eq3A_48 : i1 to i32
    %cond3A = arith.constant 0 : i32
    %cond3A_49 = arith.cmpi ne, %convert_element_type3A, %cond3A : i32
    scf.if %cond3A_49 {
      %broadcast_in_dim3A_67 = arith.constant 0.000000e+00 : f32
      %broadcast_in_dim3A_68 = vector.broadcast %broadcast_in_dim3A_67 : f32 to vector<1x8x128xf32>
      %swap3A_69 = arith.constant 0 : index
      %swap3A_70 = arith.constant 0 : index
      %swap3A_71 = arith.constant 0 : index
      %swap3A_72 = vector.load %arg9[%swap3A_69, %swap3A_70, %swap3A_71] : memref<1x8x128xf32, #tpu.memory_space<vmem>>, vector<1x8x128xf32>
      tpu.vector_store %arg9[%swap3A_69, %swap3A_70, %swap3A_71], %broadcast_in_dim3A_68 {strides = array<i32>} : memref<1x8x128xf32, #tpu.memory_space<vmem>>, vector<1x8x128xf32>,
    } else {
    }
    %reduce_sum3A = arith.constant dense<0.000000e+00> : vector<128xf32>
    %reduce_sum3A_50 = vector.multi_reduction <add>, %add3A_45, %reduce_sum3A [0] : vector<2048x128xf32> to vector<128xf32>
    %broadcast_in_dim3A = vector.shape_cast %reduce_sum3A_50 : vector<128xf32> to vector<1x128xf32>
    %mul3A_51 = arith.mulf %add3A_45, %add3A_45 : vector<2048x128xf32>
    %reduce_sum3A_52 = arith.constant dense<0.000000e+00> : vector<128xf32>
    %reduce_sum3A_53 = vector.multi_reduction <add>, %mul3A_51, %reduce_sum3A_52 [0] : vector<2048x128xf32> to vector<128xf32>
    %broadcast_in_dim3A_54 = vector.shape_cast %reduce_sum3A_53 : vector<128xf32> to vector<1x128xf32>
    %get3A_55 = arith.constant 0 : index
    %get3A_56 = arith.constant 0 : index
    %get3A_57 = arith.constant 0 : index
    %get3A_58 = vector.load %arg9[%get3A_55, %get3A_56, %get3A_57] : memref<1x8x128xf32, #tpu.memory_space<vmem>>, vector<1x8x128xf32>
    %broadcast_in_dim3A_59 = arith.constant 0.000000e+00 : f32
    %broadcast_in_dim3A_60 = vector.broadcast %broadcast_in_dim3A_59 : f32 to vector<6x128xf32>
    %concatenate3A = tpu.concatenate %broadcast_in_dim3A, %broadcast_in_dim3A_54, %broadcast_in_dim3A_60 in 0 : vector<1x128xf32>, vector<1x128xf32>, vector<6x128xf32> -> vector<8x128xf32>
    %broadcast_in_dim3A_61 = vector.shape_cast %concatenate3A : vector<8x128xf32> to vector<1x8x128xf32>
    %add3A_62 = arith.addf %get3A_58, %broadcast_in_dim3A_61 : vector<1x8x128xf32>
    %swap3A_63 = arith.constant 0 : index
    %swap3A_64 = arith.constant 0 : index
    %swap3A_65 = arith.constant 0 : index
    %swap3A_66 = vector.load %arg9[%swap3A_63, %swap3A_64, %swap3A_65] : memref<1x8x128xf32, #tpu.memory_space<vmem>>, vector<1x8x128xf32>
    tpu.vector_store %arg9[%swap3A_63, %swap3A_64, %swap3A_65], %add3A_62 {strides = array<i32>} : memref<1x8x128xf32, #tpu.memory_space<vmem>>, vector<1x8x128xf32>,
    return
  }
  func.func @transform_0(%arg0: i32, %arg1: i32) -> (i32, i32) {
    %mul3A = arith.constant 32 : i32
    %mul3A_0 = arith.muli %arg0, %mul3A : i32
    %add3A = arith.addi %mul3A_0, %arg1 : i32
    %c0_i32 = arith.constant 0 : i32
    %c0_i32_1 = arith.constant 0 : i32
    return %add3A, %c0_i32 : i32, i32
  }
  func.func @transform_1(%arg0: i32, %arg1: i32) -> (i32, i32, i32) {
    %c0_i32 = arith.constant 0 : i32
    %c0_i32_0 = arith.constant 0 : i32
    %c0_i32_1 = arith.constant 0 : i32
    %c0_i32_2 = arith.constant 0 : i32
    return %c0_i32, %c0_i32_0, %c0_i32_1 : i32, i32, i32
  }
  func.func @transform_2(%arg0: i32, %arg1: i32) -> (i32, i32) {
    %c0_i32 = arith.constant 0 : i32
    %c0_i32_0 = arith.constant 0 : i32
    %c0_i32_1 = arith.constant 0 : i32
    return %c0_i32, %c0_i32_0 : i32, i32
  }
  func.func @transform_3(%arg0: i32, %arg1: i32) -> (i32, i32) {
    %c0_i32 = arith.constant 0 : i32
    %c0_i32_0 = arith.constant 0 : i32
    %c0_i32_1 = arith.constant 0 : i32
    return %c0_i32, %c0_i32_0 : i32, i32
  }
  func.func @transform_4(%arg0: i32, %arg1: i32) -> (i32, i32) {
    %c0_i32 = arith.constant 0 : i32
    %c0_i32_0 = arith.constant 0 : i32
    %c0_i32_1 = arith.constant 0 : i32
    return %c0_i32, %c0_i32_0 : i32, i32
  }
  func.func @transform_5(%arg0: i32, %arg1: i32) -> (i32, i32) {
    %c0_i32 = arith.constant 0 : i32
    %c0_i32_0 = arith.constant 0 : i32
    %c0_i32_1 = arith.constant 0 : i32
    return %c0_i32, %c0_i32_0 : i32, i32
  }
  func.func @transform_6(%arg0: i32, %arg1: i32) -> (i32, i32) {
    %mul3A = arith.constant 32 : i32
    %mul3A_0 = arith.muli %arg0, %mul3A : i32
    %add3A = arith.addi %mul3A_0, %arg1 : i32
    %c0_i32 = arith.constant 0 : i32
    %c0_i32_1 = arith.constant 0 : i32
    return %add3A, %c0_i32 : i32, i32
  }
  func.func @transform_7(%arg0: i32, %arg1: i32) -> (i32, i32, i32) {
    %c0_i32 = arith.constant 0 : i32
    %c0_i32_0 = arith.constant 0 : i32
    %c0_i32_1 = arith.constant 0 : i32
    return %arg0, %c0_i32, %c0_i32_0 : i32, i32, i32
  }
}

module attributes {stable_mosaic.version = 14 : i64} {
  func.func @_mlp_body(%arg0: i32, %arg1: i32, %arg2: memref<2048x128xf32, #tpu.memory_space<vmem>>, %arg3: memref<2x8x128xf32, #tpu.memory_space<vmem>>, %arg4: memref<1x128xf32, #tpu.memory_space<vmem>>, %arg5: memref<1x128xf32, #tpu.memory_space<vmem>>, %arg6: memref<128x256xf32, #tpu.memory_space<vmem>>, %arg7: memref<1x256xf32, #tpu.memory_space<vmem>>, %arg8: memref<2048x256xf32, #tpu.memory_space<vmem>>, %arg9: memref<1x8x256xf32, #tpu.memory_space<vmem>>) attributes {dimension_semantics = [#tpu.dimension_semantics<parallel>, #tpu.dimension_semantics<arbitrary>], iteration_bounds = array<i64: 2, 32>, scalar_prefetch = 0 : i64, scratch_operands = 0 : i64, tpu.core_type = #tpu.core_type<tc>, window_params = [{transform_indices = @transform_0, window_bounds = array<i64: 2048, 128>}, {pipeline_mode = #tpu.pipeline_mode<synchronous>, transform_indices = @transform_1, window_bounds = array<i64: 2, 8, 128>}, {pipeline_mode = #tpu.pipeline_mode<synchronous>, transform_indices = @transform_2, window_bounds = array<i64: 1, 128>}, {pipeline_mode = #tpu.pipeline_mode<synchronous>, transform_indices = @transform_3, window_bounds = array<i64: 1, 128>}, {pipeline_mode = #tpu.pipeline_mode<synchronous>, transform_indices = @transform_4, window_bounds = array<i64: 128, 256>}, {pipeline_mode = #tpu.pipeline_mode<synchronous>, transform_indices = @transform_5, window_bounds = array<i64: 1, 256>}, {transform_indices = @transform_6, window_bounds = array<i64: 2048, 256>}, {transform_indices = @transform_7, window_bounds = array<i64: 1, 8, 256>}]} {
    %get3A = arith.constant 0 : index
    %get3A_0 = arith.constant 0 : index
    %get3A_1 = arith.constant 0 : index
    %get3A_2 = vector.load %arg3[%get3A, %get3A_0, %get3A_1] : memref<2x8x128xf32, #tpu.memory_space<vmem>>, vector<1x8x128xf32>
    %get3A_3 = vector.shape_cast %get3A_2 : vector<1x8x128xf32> to vector<8x128xf32>
    %get3A_4 = arith.constant 1 : index
    %get3A_5 = arith.constant 0 : index
    %get3A_6 = arith.constant 0 : index
    %get3A_7 = vector.load %arg3[%get3A_4, %get3A_5, %get3A_6] : memref<2x8x128xf32, #tpu.memory_space<vmem>>, vector<1x8x128xf32>
    %get3A_8 = vector.shape_cast %get3A_7 : vector<1x8x128xf32> to vector<8x128xf32>
    %add3A = arith.addf %get3A_3, %get3A_8 : vector<8x128xf32>
    %slice3A = vector.extract_strided_slice %add3A {offsets = [0, 0], sizes = [1, 128], strides = [1, 1]} : vector<8x128xf32> to vector<1x128xf32>
    %div3A = arith.constant 1.310720e+05 : f32
    %div3A_9 = vector.broadcast %div3A : f32 to vector<1x128xf32>
    %div3A_10 = arith.divf %slice3A, %div3A_9 : vector<1x128xf32>
    %slice3A_11 = vector.extract_strided_slice %add3A {offsets = [1, 0], sizes = [1, 128], strides = [1, 1]} : vector<8x128xf32> to vector<1x128xf32>
    %div3A_12 = arith.constant 1.310720e+05 : f32
    %div3A_13 = vector.broadcast %div3A_12 : f32 to vector<1x128xf32>
    %div3A_14 = arith.divf %slice3A_11, %div3A_13 : vector<1x128xf32>
    %mul3A = arith.mulf %div3A_10, %div3A_10 : vector<1x128xf32>
    %sub3A = arith.subf %div3A_14, %mul3A : vector<1x128xf32>
    %get3A_15 = arith.constant 0 : index
    %get3A_16 = arith.constant 0 : index
    %get3A_17 = vector.load %arg2[%get3A_15, %get3A_16] : memref<2048x128xf32, #tpu.memory_space<vmem>>, vector<2048x128xf32>
    %sub3A_18 = vector.broadcast %div3A_10 : vector<1x128xf32> to vector<2048x128xf32>
    %sub3A_19 = arith.subf %get3A_17, %sub3A_18 : vector<2048x128xf32>
    %add3A_20 = arith.constant 9.99999974E-6 : f32
    %add3A_21 = vector.broadcast %add3A_20 : f32 to vector<1x128xf32>
    %add3A_22 = arith.addf %sub3A, %add3A_21 : vector<1x128xf32>
    %rsqrt3A = math.rsqrt %add3A_22 : vector<1x128xf32>
    %mul3A_23 = vector.broadcast %rsqrt3A : vector<1x128xf32> to vector<2048x128xf32>
    %mul3A_24 = arith.mulf %sub3A_19, %mul3A_23 : vector<2048x128xf32>
    %get3A_25 = arith.constant 0 : index
    %get3A_26 = arith.constant 0 : index
    %get3A_27 = vector.load %arg4[%get3A_25, %get3A_26] : memref<1x128xf32, #tpu.memory_space<vmem>>, vector<1x128xf32>
    %mul3A_28 = vector.broadcast %get3A_27 : vector<1x128xf32> to vector<2048x128xf32>
    %mul3A_29 = arith.mulf %mul3A_24, %mul3A_28 : vector<2048x128xf32>
    %get3A_30 = arith.constant 0 : index
    %get3A_31 = arith.constant 0 : index
    %get3A_32 = vector.load %arg5[%get3A_30, %get3A_31] : memref<1x128xf32, #tpu.memory_space<vmem>>, vector<1x128xf32>
    %add3A_33 = vector.broadcast %get3A_32 : vector<1x128xf32> to vector<2048x128xf32>
    %add3A_34 = arith.addf %mul3A_29, %add3A_33 : vector<2048x128xf32>
    %max3A = arith.constant 0.000000e+00 : f32
    %max3A_35 = vector.broadcast %max3A : f32 to vector<2048x128xf32>
    %max3A_36 = arith.maximumf %add3A_34, %max3A_35 : vector<2048x128xf32>
    %get3A_37 = arith.constant 0 : index
    %get3A_38 = arith.constant 0 : index
    %get3A_39 = vector.load %arg6[%get3A_37, %get3A_38] : memref<128x256xf32, #tpu.memory_space<vmem>>, vector<128x256xf32>
    %dot_general3A = arith.constant dense<0.000000e+00> : vector<2048x256xf32>
    %dot_general3A_40 = tpu.matmul %max3A_36, %get3A_39, %dot_general3A {dimension_numbers = #tpu.dot_dimension_numbers<[1], [0], [0], [1], [0, 0, 1, 1], [], []>, transpose_lhs_hint = false} : vector<2048x128xf32>, vector<128x256xf32>, vector<2048x256xf32> -> vector<2048x256xf32>
    %get3A_41 = arith.constant 0 : index
    %get3A_42 = arith.constant 0 : index
    %get3A_43 = vector.load %arg7[%get3A_41, %get3A_42] : memref<1x256xf32, #tpu.memory_space<vmem>>, vector<1x256xf32>
    %add3A_44 = vector.broadcast %get3A_43 : vector<1x256xf32> to vector<2048x256xf32>
    %add3A_45 = arith.addf %dot_general3A_40, %add3A_44 : vector<2048x256xf32>
    %swap3A = arith.constant 0 : index
    %swap3A_46 = arith.constant 0 : index
    %swap3A_47 = vector.load %arg8[%swap3A, %swap3A_46] : memref<2048x256xf32, #tpu.memory_space<vmem>>, vector<2048x256xf32>
    tpu.vector_store %arg8[%swap3A, %swap3A_46], %add3A_45 {strides = array<i32>} : memref<2048x256xf32, #tpu.memory_space<vmem>>, vector<2048x256xf32>,
    %eq3A = arith.constant 0 : i32
    %eq3A_48 = arith.cmpi eq, %arg1, %eq3A : i32
    %convert_element_type3A = arith.extui %eq3A_48 : i1 to i32
    %cond3A = arith.constant 0 : i32
    %cond3A_49 = arith.cmpi ne, %convert_element_type3A, %cond3A : i32
    scf.if %cond3A_49 {
      %broadcast_in_dim3A_67 = arith.constant 0.000000e+00 : f32
      %broadcast_in_dim3A_68 = vector.broadcast %broadcast_in_dim3A_67 : f32 to vector<1x8x256xf32>
      %swap3A_69 = arith.constant 0 : index
      %swap3A_70 = arith.constant 0 : index
      %swap3A_71 = arith.constant 0 : index
      %swap3A_72 = vector.load %arg9[%swap3A_69, %swap3A_70, %swap3A_71] : memref<1x8x256xf32, #tpu.memory_space<vmem>>, vector<1x8x256xf32>
      tpu.vector_store %arg9[%swap3A_69, %swap3A_70, %swap3A_71], %broadcast_in_dim3A_68 {strides = array<i32>} : memref<1x8x256xf32, #tpu.memory_space<vmem>>, vector<1x8x256xf32>,
    } else {
    }
    %reduce_sum3A = arith.constant dense<0.000000e+00> : vector<256xf32>
    %reduce_sum3A_50 = vector.multi_reduction <add>, %add3A_45, %reduce_sum3A [0] : vector<2048x256xf32> to vector<256xf32>
    %broadcast_in_dim3A = vector.shape_cast %reduce_sum3A_50 : vector<256xf32> to vector<1x256xf32>
    %mul3A_51 = arith.mulf %add3A_45, %add3A_45 : vector<2048x256xf32>
    %reduce_sum3A_52 = arith.constant dense<0.000000e+00> : vector<256xf32>
    %reduce_sum3A_53 = vector.multi_reduction <add>, %mul3A_51, %reduce_sum3A_52 [0] : vector<2048x256xf32> to vector<256xf32>
    %broadcast_in_dim3A_54 = vector.shape_cast %reduce_sum3A_53 : vector<256xf32> to vector<1x256xf32>
    %get3A_55 = arith.constant 0 : index
    %get3A_56 = arith.constant 0 : index
    %get3A_57 = arith.constant 0 : index
    %get3A_58 = vector.load %arg9[%get3A_55, %get3A_56, %get3A_57] : memref<1x8x256xf32, #tpu.memory_space<vmem>>, vector<1x8x256xf32>
    %broadcast_in_dim3A_59 = arith.constant 0.000000e+00 : f32
    %broadcast_in_dim3A_60 = vector.broadcast %broadcast_in_dim3A_59 : f32 to vector<6x256xf32>
    %concatenate3A = tpu.concatenate %broadcast_in_dim3A, %broadcast_in_dim3A_54, %broadcast_in_dim3A_60 in 0 : vector<1x256xf32>, vector<1x256xf32>, vector<6x256xf32> -> vector<8x256xf32>
    %broadcast_in_dim3A_61 = vector.shape_cast %concatenate3A : vector<8x256xf32> to vector<1x8x256xf32>
    %add3A_62 = arith.addf %get3A_58, %broadcast_in_dim3A_61 : vector<1x8x256xf32>
    %swap3A_63 = arith.constant 0 : index
    %swap3A_64 = arith.constant 0 : index
    %swap3A_65 = arith.constant 0 : index
    %swap3A_66 = vector.load %arg9[%swap3A_63, %swap3A_64, %swap3A_65] : memref<1x8x256xf32, #tpu.memory_space<vmem>>, vector<1x8x256xf32>
    tpu.vector_store %arg9[%swap3A_63, %swap3A_64, %swap3A_65], %add3A_62 {strides = array<i32>} : memref<1x8x256xf32, #tpu.memory_space<vmem>>, vector<1x8x256xf32>,
    return
  }
  func.func @transform_0(%arg0: i32, %arg1: i32) -> (i32, i32) {
    %mul3A = arith.constant 32 : i32
    %mul3A_0 = arith.muli %arg0, %mul3A : i32
    %add3A = arith.addi %mul3A_0, %arg1 : i32
    %c0_i32 = arith.constant 0 : i32
    %c0_i32_1 = arith.constant 0 : i32
    return %add3A, %c0_i32 : i32, i32
  }
  func.func @transform_1(%arg0: i32, %arg1: i32) -> (i32, i32, i32) {
    %c0_i32 = arith.constant 0 : i32
    %c0_i32_0 = arith.constant 0 : i32
    %c0_i32_1 = arith.constant 0 : i32
    %c0_i32_2 = arith.constant 0 : i32
    return %c0_i32, %c0_i32_0, %c0_i32_1 : i32, i32, i32
  }
  func.func @transform_2(%arg0: i32, %arg1: i32) -> (i32, i32) {
    %c0_i32 = arith.constant 0 : i32
    %c0_i32_0 = arith.constant 0 : i32
    %c0_i32_1 = arith.constant 0 : i32
    return %c0_i32, %c0_i32_0 : i32, i32
  }
  func.func @transform_3(%arg0: i32, %arg1: i32) -> (i32, i32) {
    %c0_i32 = arith.constant 0 : i32
    %c0_i32_0 = arith.constant 0 : i32
    %c0_i32_1 = arith.constant 0 : i32
    return %c0_i32, %c0_i32_0 : i32, i32
  }
  func.func @transform_4(%arg0: i32, %arg1: i32) -> (i32, i32) {
    %c0_i32 = arith.constant 0 : i32
    %c0_i32_0 = arith.constant 0 : i32
    %c0_i32_1 = arith.constant 0 : i32
    return %c0_i32, %c0_i32_0 : i32, i32
  }
  func.func @transform_5(%arg0: i32, %arg1: i32) -> (i32, i32) {
    %c0_i32 = arith.constant 0 : i32
    %c0_i32_0 = arith.constant 0 : i32
    %c0_i32_1 = arith.constant 0 : i32
    return %c0_i32, %c0_i32_0 : i32, i32
  }
  func.func @transform_6(%arg0: i32, %arg1: i32) -> (i32, i32) {
    %mul3A = arith.constant 32 : i32
    %mul3A_0 = arith.muli %arg0, %mul3A : i32
    %add3A = arith.addi %mul3A_0, %arg1 : i32
    %c0_i32 = arith.constant 0 : i32
    %c0_i32_1 = arith.constant 0 : i32
    return %add3A, %c0_i32 : i32, i32
  }
  func.func @transform_7(%arg0: i32, %arg1: i32) -> (i32, i32, i32) {
    %c0_i32 = arith.constant 0 : i32
    %c0_i32_0 = arith.constant 0 : i32
    %c0_i32_1 = arith.constant 0 : i32
    return %arg0, %c0_i32, %c0_i32_0 : i32, i32, i32
  }
}

module attributes {stable_mosaic.version = 14 : i64} {
  func.func @_ksum_body(%arg0: i32, %arg1: memref<64x32x256xf32, #tpu.memory_space<vmem>>, %arg2: memref<2x8x256xf32, #tpu.memory_space<vmem>>, %arg3: memref<1x256xf32, #tpu.memory_space<vmem>>, %arg4: memref<1x256xf32, #tpu.memory_space<vmem>>, %arg5: memref<64x32xf32, #tpu.memory_space<vmem>>, %arg6: memref<64x256xf32, #tpu.memory_space<vmem>>) attributes {dimension_semantics = [#tpu.dimension_semantics<parallel>], iteration_bounds = array<i64: 64>, scalar_prefetch = 0 : i64, scratch_operands = 0 : i64, tpu.core_type = #tpu.core_type<tc>, window_params = [{transform_indices = @transform_0, window_bounds = array<i64: 64, 32, 256>}, {pipeline_mode = #tpu.pipeline_mode<synchronous>, transform_indices = @transform_1, window_bounds = array<i64: 2, 8, 256>}, {pipeline_mode = #tpu.pipeline_mode<synchronous>, transform_indices = @transform_2, window_bounds = array<i64: 1, 256>}, {pipeline_mode = #tpu.pipeline_mode<synchronous>, transform_indices = @transform_3, window_bounds = array<i64: 1, 256>}, {transform_indices = @transform_4, window_bounds = array<i64: 64, 32>}, {transform_indices = @transform_5, window_bounds = array<i64: 64, 256>}]} {
    %get3A = arith.constant 0 : index
    %get3A_0 = arith.constant 0 : index
    %get3A_1 = arith.constant 0 : index
    %get3A_2 = vector.load %arg2[%get3A, %get3A_0, %get3A_1] : memref<2x8x256xf32, #tpu.memory_space<vmem>>, vector<1x8x256xf32>
    %get3A_3 = vector.shape_cast %get3A_2 : vector<1x8x256xf32> to vector<8x256xf32>
    %get3A_4 = arith.constant 1 : index
    %get3A_5 = arith.constant 0 : index
    %get3A_6 = arith.constant 0 : index
    %get3A_7 = vector.load %arg2[%get3A_4, %get3A_5, %get3A_6] : memref<2x8x256xf32, #tpu.memory_space<vmem>>, vector<1x8x256xf32>
    %get3A_8 = vector.shape_cast %get3A_7 : vector<1x8x256xf32> to vector<8x256xf32>
    %add3A = arith.addf %get3A_3, %get3A_8 : vector<8x256xf32>
    %slice3A = vector.extract_strided_slice %add3A {offsets = [0, 0], sizes = [1, 256], strides = [1, 1]} : vector<8x256xf32> to vector<1x256xf32>
    %div3A = arith.constant 1.310720e+05 : f32
    %div3A_9 = vector.broadcast %div3A : f32 to vector<1x256xf32>
    %div3A_10 = arith.divf %slice3A, %div3A_9 : vector<1x256xf32>
    %reshape3A = vector.shape_cast %div3A_10 : vector<1x256xf32> to vector<1x1x256xf32>
    %slice3A_11 = vector.extract_strided_slice %add3A {offsets = [1, 0], sizes = [1, 256], strides = [1, 1]} : vector<8x256xf32> to vector<1x256xf32>
    %div3A_12 = arith.constant 1.310720e+05 : f32
    %div3A_13 = vector.broadcast %div3A_12 : f32 to vector<1x256xf32>
    %div3A_14 = arith.divf %slice3A_11, %div3A_13 : vector<1x256xf32>
    %reshape3A_15 = vector.shape_cast %div3A_14 : vector<1x256xf32> to vector<1x1x256xf32>
    %mul3A = arith.mulf %reshape3A, %reshape3A : vector<1x1x256xf32>
    %sub3A = arith.subf %reshape3A_15, %mul3A : vector<1x1x256xf32>
    %get3A_16 = arith.constant 0 : index
    %get3A_17 = arith.constant 0 : index
    %get3A_18 = vector.load %arg3[%get3A_16, %get3A_17] : memref<1x256xf32, #tpu.memory_space<vmem>>, vector<1x256xf32>
    %reshape3A_19 = vector.shape_cast %get3A_18 : vector<1x256xf32> to vector<1x1x256xf32>
    %get3A_20 = arith.constant 0 : index
    %get3A_21 = arith.constant 0 : index
    %get3A_22 = vector.load %arg4[%get3A_20, %get3A_21] : memref<1x256xf32, #tpu.memory_space<vmem>>, vector<1x256xf32>
    %reshape3A_23 = vector.shape_cast %get3A_22 : vector<1x256xf32> to vector<1x1x256xf32>
    %get3A_24 = arith.constant 0 : index
    %get3A_25 = arith.constant 0 : index
    %get3A_26 = arith.constant 0 : index
    %get3A_27 = vector.load %arg1[%get3A_24, %get3A_25, %get3A_26] : memref<64x32x256xf32, #tpu.memory_space<vmem>>, vector<64x32x256xf32>
    %sub3A_28 = vector.broadcast %reshape3A : vector<1x1x256xf32> to vector<64x32x256xf32>
    %sub3A_29 = arith.subf %get3A_27, %sub3A_28 : vector<64x32x256xf32>
    %add3A_30 = arith.constant 9.99999974E-6 : f32
    %add3A_31 = vector.broadcast %add3A_30 : f32 to vector<1x1x256xf32>
    %add3A_32 = arith.addf %sub3A, %add3A_31 : vector<1x1x256xf32>
    %rsqrt3A = math.rsqrt %add3A_32 : vector<1x1x256xf32>
    %mul3A_33 = vector.broadcast %rsqrt3A : vector<1x1x256xf32> to vector<64x32x256xf32>
    %mul3A_34 = arith.mulf %sub3A_29, %mul3A_33 : vector<64x32x256xf32>
    %mul3A_35 = vector.broadcast %reshape3A_19 : vector<1x1x256xf32> to vector<64x32x256xf32>
    %mul3A_36 = arith.mulf %mul3A_34, %mul3A_35 : vector<64x32x256xf32>
    %add3A_37 = vector.broadcast %reshape3A_23 : vector<1x1x256xf32> to vector<64x32x256xf32>
    %add3A_38 = arith.addf %mul3A_36, %add3A_37 : vector<64x32x256xf32>
    %get3A_39 = arith.constant 0 : index
    %get3A_40 = arith.constant 0 : index
    %get3A_41 = vector.load %arg5[%get3A_39, %get3A_40] : memref<64x32xf32, #tpu.memory_space<vmem>>, vector<64x32xf32>
    %broadcast_in_dim3A = vector.shape_cast %get3A_41 : vector<64x32xf32> to vector<64x32x1xf32>
    %mul3A_42 = vector.broadcast %broadcast_in_dim3A : vector<64x32x1xf32> to vector<64x32x256xf32>
    %mul3A_43 = arith.mulf %add3A_38, %mul3A_42 : vector<64x32x256xf32>
    %reduce_sum3A = arith.constant dense<0.000000e+00> : vector<64x256xf32>
    %reduce_sum3A_44 = vector.multi_reduction <add>, %mul3A_43, %reduce_sum3A [1] : vector<64x32x256xf32> to vector<64x256xf32>
    %swap3A = arith.constant 0 : index
    %swap3A_45 = arith.constant 0 : index
    %swap3A_46 = vector.load %arg6[%swap3A, %swap3A_45] : memref<64x256xf32, #tpu.memory_space<vmem>>, vector<64x256xf32>
    tpu.vector_store %arg6[%swap3A, %swap3A_45], %reduce_sum3A_44 {strides = array<i32>} : memref<64x256xf32, #tpu.memory_space<vmem>>, vector<64x256xf32>,
    return
  }
  func.func @transform_0(%arg0: i32) -> (i32, i32, i32) {
    %c0_i32 = arith.constant 0 : i32
    %c0_i32_0 = arith.constant 0 : i32
    %c0_i32_1 = arith.constant 0 : i32
    return %arg0, %c0_i32, %c0_i32_0 : i32, i32, i32
  }
  func.func @transform_1(%arg0: i32) -> (i32, i32, i32) {
    %c0_i32 = arith.constant 0 : i32
    %c0_i32_0 = arith.constant 0 : i32
    %c0_i32_1 = arith.constant 0 : i32
    %c0_i32_2 = arith.constant 0 : i32
    return %c0_i32, %c0_i32_0, %c0_i32_1 : i32, i32, i32
  }
  func.func @transform_2(%arg0: i32) -> (i32, i32) {
    %c0_i32 = arith.constant 0 : i32
    %c0_i32_0 = arith.constant 0 : i32
    %c0_i32_1 = arith.constant 0 : i32
    return %c0_i32, %c0_i32_0 : i32, i32
  }
  func.func @transform_3(%arg0: i32) -> (i32, i32) {
    %c0_i32 = arith.constant 0 : i32
    %c0_i32_0 = arith.constant 0 : i32
    %c0_i32_1 = arith.constant 0 : i32
    return %c0_i32, %c0_i32_0 : i32, i32
  }
  func.func @transform_4(%arg0: i32) -> (i32, i32) {
    %c0_i32 = arith.constant 0 : i32
    %c0_i32_0 = arith.constant 0 : i32
    return %arg0, %c0_i32 : i32, i32
  }
  func.func @transform_5(%arg0: i32) -> (i32, i32) {
    %c0_i32 = arith.constant 0 : i32
    %c0_i32_0 = arith.constant 0 : i32
    return %arg0, %c0_i32 : i32, i32
  }
}

module attributes {stable_mosaic.version = 14 : i64} {
  func.func @_head_body(%arg0: memref<4096x256xf32, #tpu.memory_space<vmem>>, %arg1: memref<256x128xf32, #tpu.memory_space<vmem>>, %arg2: memref<1x128xf32, #tpu.memory_space<vmem>>, %arg3: memref<1x128xf32, #tpu.memory_space<vmem>>, %arg4: memref<1x128xf32, #tpu.memory_space<vmem>>, %arg5: memref<128x64xf32, #tpu.memory_space<vmem>>, %arg6: memref<1x64xf32, #tpu.memory_space<vmem>>, %arg7: memref<1x64xf32, #tpu.memory_space<vmem>>, %arg8: memref<1x64xf32, #tpu.memory_space<vmem>>, %arg9: memref<64x8xf32, #tpu.memory_space<vmem>>, %arg10: memref<1x8xf32, #tpu.memory_space<vmem>>, %arg11: memref<4096x8xf32, #tpu.memory_space<vmem>>) attributes {dimension_semantics = [], scalar_prefetch = 0 : i64, scratch_operands = 0 : i64, tpu.core_type = #tpu.core_type<tc>} {
    %get3A = arith.constant 0 : index
    %get3A_0 = arith.constant 0 : index
    %get3A_1 = vector.load %arg0[%get3A, %get3A_0] : memref<4096x256xf32, #tpu.memory_space<vmem>>, vector<4096x256xf32>
    %get3A_2 = arith.constant 0 : index
    %get3A_3 = arith.constant 0 : index
    %get3A_4 = vector.load %arg1[%get3A_2, %get3A_3] : memref<256x128xf32, #tpu.memory_space<vmem>>, vector<256x128xf32>
    %dot_general3A = arith.constant dense<0.000000e+00> : vector<4096x128xf32>
    %dot_general3A_5 = tpu.matmul %get3A_1, %get3A_4, %dot_general3A {dimension_numbers = #tpu.dot_dimension_numbers<[1], [0], [0], [1], [0, 0, 1, 1], [], []>, transpose_lhs_hint = false} : vector<4096x256xf32>, vector<256x128xf32>, vector<4096x128xf32> -> vector<4096x128xf32>
    %get3A_6 = arith.constant 0 : index
    %get3A_7 = arith.constant 0 : index
    %get3A_8 = vector.load %arg2[%get3A_6, %get3A_7] : memref<1x128xf32, #tpu.memory_space<vmem>>, vector<1x128xf32>
    %add3A = vector.broadcast %get3A_8 : vector<1x128xf32> to vector<4096x128xf32>
    %add3A_9 = arith.addf %dot_general3A_5, %add3A : vector<4096x128xf32>
    %get3A_10 = arith.constant 0 : index
    %get3A_11 = arith.constant 0 : index
    %get3A_12 = vector.load %arg3[%get3A_10, %get3A_11] : memref<1x128xf32, #tpu.memory_space<vmem>>, vector<1x128xf32>
    %get3A_13 = arith.constant 0 : index
    %get3A_14 = arith.constant 0 : index
    %get3A_15 = vector.load %arg4[%get3A_13, %get3A_14] : memref<1x128xf32, #tpu.memory_space<vmem>>, vector<1x128xf32>
    %reduce_sum3A = arith.constant dense<0.000000e+00> : vector<128xf32>
    %reduce_sum3A_16 = vector.multi_reduction <add>, %add3A_9, %reduce_sum3A [0] : vector<4096x128xf32> to vector<128xf32>
    %broadcast_in_dim3A = vector.shape_cast %reduce_sum3A_16 : vector<128xf32> to vector<1x128xf32>
    %div3A = arith.constant 4.096000e+03 : f32
    %div3A_17 = vector.broadcast %div3A : f32 to vector<1x128xf32>
    %div3A_18 = arith.divf %broadcast_in_dim3A, %div3A_17 : vector<1x128xf32>
    %mul3A = arith.mulf %add3A_9, %add3A_9 : vector<4096x128xf32>
    %reduce_sum3A_19 = arith.constant dense<0.000000e+00> : vector<128xf32>
    %reduce_sum3A_20 = vector.multi_reduction <add>, %mul3A, %reduce_sum3A_19 [0] : vector<4096x128xf32> to vector<128xf32>
    %broadcast_in_dim3A_21 = vector.shape_cast %reduce_sum3A_20 : vector<128xf32> to vector<1x128xf32>
    %div3A_22 = arith.constant 4.096000e+03 : f32
    %div3A_23 = vector.broadcast %div3A_22 : f32 to vector<1x128xf32>
    %div3A_24 = arith.divf %broadcast_in_dim3A_21, %div3A_23 : vector<1x128xf32>
    %mul3A_25 = arith.mulf %div3A_18, %div3A_18 : vector<1x128xf32>
    %sub3A = arith.subf %div3A_24, %mul3A_25 : vector<1x128xf32>
    %sub3A_26 = vector.broadcast %div3A_18 : vector<1x128xf32> to vector<4096x128xf32>
    %sub3A_27 = arith.subf %add3A_9, %sub3A_26 : vector<4096x128xf32>
    %add3A_28 = arith.constant 9.99999974E-6 : f32
    %add3A_29 = vector.broadcast %add3A_28 : f32 to vector<1x128xf32>
    %add3A_30 = arith.addf %sub3A, %add3A_29 : vector<1x128xf32>
    %rsqrt3A = math.rsqrt %add3A_30 : vector<1x128xf32>
    %mul3A_31 = vector.broadcast %rsqrt3A : vector<1x128xf32> to vector<4096x128xf32>
    %mul3A_32 = arith.mulf %sub3A_27, %mul3A_31 : vector<4096x128xf32>
    %mul3A_33 = vector.broadcast %get3A_12 : vector<1x128xf32> to vector<4096x128xf32>
    %mul3A_34 = arith.mulf %mul3A_32, %mul3A_33 : vector<4096x128xf32>
    %add3A_35 = vector.broadcast %get3A_15 : vector<1x128xf32> to vector<4096x128xf32>
    %add3A_36 = arith.addf %mul3A_34, %add3A_35 : vector<4096x128xf32>
    %max3A = arith.constant 0.000000e+00 : f32
    %max3A_37 = vector.broadcast %max3A : f32 to vector<4096x128xf32>
    %max3A_38 = arith.maximumf %add3A_36, %max3A_37 : vector<4096x128xf32>
    %get3A_39 = arith.constant 0 : index
    %get3A_40 = arith.constant 0 : index
    %get3A_41 = vector.load %arg5[%get3A_39, %get3A_40] : memref<128x64xf32, #tpu.memory_space<vmem>>, vector<128x64xf32>
    %dot_general3A_42 = arith.constant dense<0.000000e+00> : vector<4096x64xf32>
    %dot_general3A_43 = tpu.matmul %max3A_38, %get3A_41, %dot_general3A_42 {dimension_numbers = #tpu.dot_dimension_numbers<[1], [0], [0], [1], [0, 0, 1, 1], [], []>, transpose_lhs_hint = false} : vector<4096x128xf32>, vector<128x64xf32>, vector<4096x64xf32> -> vector<4096x64xf32>
    %get3A_44 = arith.constant 0 : index
    %get3A_45 = arith.constant 0 : index
    %get3A_46 = vector.load %arg6[%get3A_44, %get3A_45] : memref<1x64xf32, #tpu.memory_space<vmem>>, vector<1x64xf32>
    %add3A_47 = vector.broadcast %get3A_46 : vector<1x64xf32> to vector<4096x64xf32>
    %add3A_48 = arith.addf %dot_general3A_43, %add3A_47 : vector<4096x64xf32>
    %get3A_49 = arith.constant 0 : index
    %get3A_50 = arith.constant 0 : index
    %get3A_51 = vector.load %arg7[%get3A_49, %get3A_50] : memref<1x64xf32, #tpu.memory_space<vmem>>, vector<1x64xf32>
    %get3A_52 = arith.constant 0 : index
    %get3A_53 = arith.constant 0 : index
    %get3A_54 = vector.load %arg8[%get3A_52, %get3A_53] : memref<1x64xf32, #tpu.memory_space<vmem>>, vector<1x64xf32>
    %reduce_sum3A_55 = arith.constant dense<0.000000e+00> : vector<64xf32>
    %reduce_sum3A_56 = vector.multi_reduction <add>, %add3A_48, %reduce_sum3A_55 [0] : vector<4096x64xf32> to vector<64xf32>
    %broadcast_in_dim3A_57 = vector.shape_cast %reduce_sum3A_56 : vector<64xf32> to vector<1x64xf32>
    %div3A_58 = arith.constant 4.096000e+03 : f32
    %div3A_59 = vector.broadcast %div3A_58 : f32 to vector<1x64xf32>
    %div3A_60 = arith.divf %broadcast_in_dim3A_57, %div3A_59 : vector<1x64xf32>
    %mul3A_61 = arith.mulf %add3A_48, %add3A_48 : vector<4096x64xf32>
    %reduce_sum3A_62 = arith.constant dense<0.000000e+00> : vector<64xf32>
    %reduce_sum3A_63 = vector.multi_reduction <add>, %mul3A_61, %reduce_sum3A_62 [0] : vector<4096x64xf32> to vector<64xf32>
    %broadcast_in_dim3A_64 = vector.shape_cast %reduce_sum3A_63 : vector<64xf32> to vector<1x64xf32>
    %div3A_65 = arith.constant 4.096000e+03 : f32
    %div3A_66 = vector.broadcast %div3A_65 : f32 to vector<1x64xf32>
    %div3A_67 = arith.divf %broadcast_in_dim3A_64, %div3A_66 : vector<1x64xf32>
    %mul3A_68 = arith.mulf %div3A_60, %div3A_60 : vector<1x64xf32>
    %sub3A_69 = arith.subf %div3A_67, %mul3A_68 : vector<1x64xf32>
    %sub3A_70 = vector.broadcast %div3A_60 : vector<1x64xf32> to vector<4096x64xf32>
    %sub3A_71 = arith.subf %add3A_48, %sub3A_70 : vector<4096x64xf32>
    %add3A_72 = arith.constant 9.99999974E-6 : f32
    %add3A_73 = vector.broadcast %add3A_72 : f32 to vector<1x64xf32>
    %add3A_74 = arith.addf %sub3A_69, %add3A_73 : vector<1x64xf32>
    %rsqrt3A_75 = math.rsqrt %add3A_74 : vector<1x64xf32>
    %mul3A_76 = vector.broadcast %rsqrt3A_75 : vector<1x64xf32> to vector<4096x64xf32>
    %mul3A_77 = arith.mulf %sub3A_71, %mul3A_76 : vector<4096x64xf32>
    %mul3A_78 = vector.broadcast %get3A_51 : vector<1x64xf32> to vector<4096x64xf32>
    %mul3A_79 = arith.mulf %mul3A_77, %mul3A_78 : vector<4096x64xf32>
    %add3A_80 = vector.broadcast %get3A_54 : vector<1x64xf32> to vector<4096x64xf32>
    %add3A_81 = arith.addf %mul3A_79, %add3A_80 : vector<4096x64xf32>
    %max3A_82 = arith.constant 0.000000e+00 : f32
    %max3A_83 = vector.broadcast %max3A_82 : f32 to vector<4096x64xf32>
    %max3A_84 = arith.maximumf %add3A_81, %max3A_83 : vector<4096x64xf32>
    %get3A_85 = arith.constant 0 : index
    %get3A_86 = arith.constant 0 : index
    %get3A_87 = vector.load %arg9[%get3A_85, %get3A_86] : memref<64x8xf32, #tpu.memory_space<vmem>>, vector<64x8xf32>
    %dot_general3A_88 = arith.constant dense<0.000000e+00> : vector<4096x8xf32>
    %dot_general3A_89 = tpu.matmul %max3A_84, %get3A_87, %dot_general3A_88 {dimension_numbers = #tpu.dot_dimension_numbers<[1], [0], [0], [1], [0, 0, 1, 1], [], []>, transpose_lhs_hint = false} : vector<4096x64xf32>, vector<64x8xf32>, vector<4096x8xf32> -> vector<4096x8xf32>
    %get3A_90 = arith.constant 0 : index
    %get3A_91 = arith.constant 0 : index
    %get3A_92 = vector.load %arg10[%get3A_90, %get3A_91] : memref<1x8xf32, #tpu.memory_space<vmem>>, vector<1x8xf32>
    %add3A_93 = vector.broadcast %get3A_92 : vector<1x8xf32> to vector<4096x8xf32>
    %add3A_94 = arith.addf %dot_general3A_89, %add3A_93 : vector<4096x8xf32>
    %swap3A = arith.constant 0 : index
    %swap3A_95 = arith.constant 0 : index
    %swap3A_96 = vector.load %arg11[%swap3A, %swap3A_95] : memref<4096x8xf32, #tpu.memory_space<vmem>>, vector<4096x8xf32>
    tpu.vector_store %arg11[%swap3A, %swap3A_95], %add3A_94 {strides = array<i32>} : memref<4096x8xf32, #tpu.memory_space<vmem>>, vector<4096x8xf32>,
    return
  }
}

</mosaic_0001>

<sc_bundles>
// kernel: kernel.9.cloned.1.call-start
scs
__scs_entry_jumppad:
0x0: {  	(pc) =	sbr.rel $0x88, $3  }
0x1: {  	(tag) =	ssettag $0x0;
	lr =	simm.s32 $0x1  }
0x2: {  	[smem:$0x3F86] =	sst lr;
	_ =	strace $0xD0000000  }
0x3: {  	_ = 	snop  }
0x4: {  	_ = 	snop  }
0x5: {  	_ = 	snop  }
0x6: {  	_ = 	snop  }
0x7: {  	_ = 	snop  }
__scs_overlays_trampoline_lowered:
0x8: {  	[smem:$0x3F95] =	sst s0  }
0x9: {  	[smem:$0x3F96] =	sst s1  }
0xa: {  	[smem:$0x3F97] =	sst s2  }
0xb: {  	[smem:$0x3F98] =	sst s3  }
0xc: {  	[smem:$0x3F99] =	sst s4  }
0xd: {  	[smem:$0x3F9A] =	sst s5  }
0xe: {  	[smem:$0x3F9B] =	sst s6  }
0xf: {  	[smem:$0x3F9C] =	sst s7  }
0x10: {  	[smem:$0x3F9D] =	sst s8  }
0x11: {  	[smem:$0x3F9E] =	sst s9;
	s0 =	simm.s32 @!p0 $0x0  }
0x12: {  	s1 =	sld [smem:$0x3F84];
	s0 =	simm.s32 @p0 $0x1  }
0x13: {  	[smem:$0x3F9F] =	sst s0;
	s0 =	simm.s32 @!p1 $0x0  }
0x14: {  	s2 =	sld [smem:$0x3F83];
	s0 =	simm.s32 @p1 $0x1  }
0x15: {  	[smem:$0x3FA0] =	sst s0;
	s0 =	simm.s32 @!p2 $0x0  }
0x16: {  	s3 =	sld [smem:$0x3FDB];
	s0 =	simm.s32 @p2 $0x1  }
0x17: {  	s4 =	simm.s32 $0x1BF5;
	[smem:$0x3FA2] =	sst s0  }
0x18: {  	s0 =	sld [smem:$0x3F85];
	_ =	swait.ge [sflag:s4], $0x0  }
0x19: {  	s7 =	sld [smem:$0x3F86]  }
0x1a: {  	s8 =	sadd.s32 $0xFFFFE003, lr  }
0x1b: {  	s9 =	sadd.s32 $0xFFFFFEF7, lr;
	s5 =	simm.s32 $0xFFFFFFFF;
	p2 =	slt.u32 s8, $0xFFFFF086  }
0x1c: {  	p1 =	slt.u32 s9, $0xF7A;
	s5 =	simm.s32 @!p2 $0x0  }
0x1d: {  	s5 =	simm.s32 @p1 $0x1;
	p0 =	seq.s32 s7, s2  }
0x1e: {  	s7 =	smul.u32 @!p0 $0xF7A, s2;
	p2 =	seq.s32 @!p0 s5, $0x0  }
0x1f: {  	s9 =	smul.u32 $0xF7A, s1;
	s8 =	simm.s32 @!p0 $0x1BF5;
	p2 =	por !p2, p0  }
0x20: {  	[sflag:s8] =	ssyncset.s32 @!p0 $0xFFFFF086;
	s6 =	sadd.s32 @!p0 s3, s7;
	s7 =	simm.s32 @!p0 $0x108  }
0x21: {  	s3 =	sadd.s32 s3, s9;
	s6 =	sadd.s32 @!p0 $0x88, s6;
	s7 =	simm.s32 @p2 $0x1082  }
0x22: {  	[simem:s7], [sflag:s8] =	dma.local @!p0 [hbm:s6], $0xF7A  }
0x23: {  	s9 =	sor.u32 $0xD0000000, s2;
	s6 =	simm.s32 $0x108;
	_ =	swait.ge @!p0 [sflag:s8], $0x0  }
0x24: {  	s3 =	sadd.s32 $0x88, s3;
	s6 =	simm.s32 @!p1 $0x1082;
	[sflag:s4] =	ssyncset.s32 $0xFFFFF086  }
0x25: {  	[simem:s6], [sflag:s4] =	dma.local [hbm:s3], $0xF7A  }
0x26: {  	[smem:$0x3F86] =	sst s1;
	(tag) =	ssettag s2;
	_ =	strace s9  }
0x27: {  	s1 =	sld [smem:$0x3F96]  }
0x28: {  	s2 =	sld [smem:$0x3F97]  }
0x29: {  	s4 =	sld [smem:$0x3F99]  }
0x2a: {  	p0 =	seq.s32 s5, $0x0;
	s5 =	sld [smem:$0x3F9A]  }
0x2b: {  	s6 =	sld [smem:$0x3F9B]  }
0x2c: {  	s7 =	sld [smem:$0x3F9C]  }
0x2d: {  	s3 =	simm.s32 $0x108;
	s8 =	sld [smem:$0x3F9D]  }
0x2e: {  	s3 =	simm.s32 @!p0 $0x1082;
	s9 =	sld [smem:$0x3F9E]  }
0x2f: {  	lr =	sadd.s32 s0, s3;
	s0 =	sld [smem:$0x3F95]  }
0x30: {  	s3 =	sld [smem:$0x3F98]  }
0x31: {  	[smem:$0x3FA1] =	sst s10  }
0x32: {  	s10 =	sld [smem:$0x3F9F];
	_ =	sdelay $0x3  }
0x33: {  	p0 =	seq.s32 s10, $0x1;
	s10 =	sld [smem:$0x3FA1];
	_ =	sdelay $0x3  }
0x34: {  	[smem:$0x3FA1] =	sst s10  }
0x35: {  	s10 =	sld [smem:$0x3FA0];
	_ =	sdelay $0x3  }
0x36: {  	p1 =	seq.s32 s10, $0x1;
	s10 =	sld [smem:$0x3FA1];
	_ =	sdelay $0x3  }
0x37: {  	[smem:$0x3FA1] =	sst s10  }
0x38: {  	s10 =	sld [smem:$0x3FA2]  }
0x39: {  	_ = 	snop;
	(pc) =	sbr.ind lr, $3  }
0x3a: {  	_ = 	snop  }
0x3b: {  	_ = 	snop  }
0x3c: {  	p2 =	seq.s32 s10, $0x1;
	s10 =	sld [smem:$0x3FA1]  }
0x3d: {  	_ =	shalt  }
0x3e: {  	_ =	shalt  }
0x3f: {  	_ =	shalt  }
0x40: {  	_ =	shalt  }
0x41: {  	_ =	shalt  }
0x42: {  	_ =	shalt  }
0x43: {  	_ =	shalt  }
0x44: {  	_ =	shalt  }
0x45: {  	_ =	shalt  }
0x46: {  	_ =	shalt  }
0x47: {  	_ =	shalt  }
0x48: {  	_ =	shalt  }
0x49: {  	_ =	shalt  }
0x4a: {  	_ =	shalt  }
0x4b: {  	_ =	shalt  }
0x4c: {  	_ =	shalt  }
0x4d: {  	_ =	shalt  }
0x4e: {  	_ =	shalt  }
0x4f: {  	_ =	shalt  }
0x50: {  	_ =	shalt  }
0x51: {  	_ =	shalt  }
0x52: {  	_ =	shalt  }
0x53: {  	_ =	shalt  }
0x54: {  	_ =	shalt  }
0x55: {  	_ =	shalt  }
0x56: {  	_ =	shalt  }
0x57: {  	_ =	shalt  }
0x58: {  	_ =	shalt  }
0x59: {  	_ =	shalt  }
0x5a: {  	_ =	shalt  }
0x5b: {  	_ =	shalt  }
0x5c: {  	_ =	shalt  }
0x5d: {  	_ =	shalt  }
0x5e: {  	_ =	shalt  }
0x5f: {  	_ =	shalt  }
0x60: {  	_ =	shalt  }
0x61: {  	_ =	shalt  }
0x62: {  	_ =	shalt  }
0x63: {  	_ =	shalt  }
0x64: {  	_ =	shalt  }
0x65: {  	_ =	shalt  }
0x66: {  	_ =	shalt  }
0x67: {  	_ =	shalt  }
0x68: {  	_ =	shalt  }
0x69: {  	_ =	shalt  }
0x6a: {  	_ =	shalt  }
0x6b: {  	_ =	shalt  }
0x6c: {  	_ =	shalt  }
0x6d: {  	_ =	shalt  }
0x6e: {  	_ =	shalt  }
0x6f: {  	_ =	shalt  }
0x70: {  	_ =	shalt  }
0x71: {  	_ =	shalt  }
0x72: {  	_ =	shalt  }
0x73: {  	_ =	shalt  }
0x74: {  	_ =	shalt  }
0x75: {  	_ =	shalt  }
0x76: {  	_ =	shalt  }
0x77: {  	_ =	shalt  }
0x78: {  	_ =	shalt  }
0x79: {  	_ =	shalt  }
0x7a: {  	_ =	shalt  }
0x7b: {  	_ =	shalt  }
0x7c: {  	_ =	shalt  }
0x7d: {  	_ =	shalt  }
0x7e: {  	_ =	shalt  }
0x7f: {  	_ =	shalt  }
0x80: {  	_ =	shalt  }
0x81: {  	_ =	shalt  }
0x82: {  	_ =	shalt  }
0x83: {  	_ =	shalt  }
0x84: {  	_ =	shalt  }
0x85: {  	_ =	shalt  }
0x86: {  	_ =	shalt  }
0x87: {  	_ =	shalt  }
.Lfunc_end0:
.L_simem_size_0:
called_computation_lowered:
.L_overlay_start_0:
0x88: {  	s2 =	sld [smem:$0x3FD9]  }
0x89: {  	s3 =	sld [smem:$0x3FFE];
	_ =	sdelay $0x1  }
0x8a: {  	s1 =	srdreg.scid  }
0x8b: {  	s0 =	sand.u32 $0x1, s1  }
0x8c: {  	s17 =	sshll.u32 s0, $0xA;
	s2 =	sadd.s32 s3, s2  }
0x8d: {  	s2 =	sadd.s32 s2, s17  }
0x8e: {  	[smem:$0x3FAD] =	sst s2  }
0x8f: {  	_ = 	snop  }
0x90: {  	s2 =	sld [smem:$0x3FC7];
	(tm) =	ssettm $0x1  }
0x91: {  	s18 =	sld [smem:$0x3FFB];
	_ =	sdelay $0x3  }
0x92: {  	_ =	strace s18  }
0x93: {  	s3 =	sld [smem:$0x3FFC];
	_ =	sdelay $0x3  }
0x94: {  	_ =	strace s3  }
0x95: {  	s3 =	sld [smem:$0x3FFD];
	_ =	sdelay $0x3  }
0x96: {  	_ =	strace s3  }
0x97: {  	_ =	strace $0x8FFFFFFF  }
0x98: {  	s19 =	sld [smem:$0x3FDB];
	_ =	sdelay $0x1  }
0x99: {  	s4 =	simm.s32 $_scs_section_size  }
0x9a: {  	s5 =	simm.s32 $_size__tile_overlayer_lowered;
	s6 =	simm.s32 $_tile_overlayer_lowered  }
0x9b: {  	s22 =	simm.s32 $0x1BFF;
	s21 =	sshll.u32 s6, $0x1;
	s3 =	sadd.s32 s4, s19  }
0x9c: {  	s7 =	simm.s32 $0x0;
	s20 =	sshll.u32 s5, $0x1;
	s5 =	sadd.s32 s21, s3  }
0x9d: {  	[timem:s7], [sflag:s22] =	dma.local [hbm:s5], s20  }
0x9e: {  	_ =	swait.ge [sflag:s22], s20  }
0x9f: {  	s4 =	ssub.s32 $0x0, s20;
	[sflag:s22] =	ssyncset.done $0x0  }
0xa0: {  	[sflag:s22] =	ssyncadd.s32 s4;
	_ =	sdelay $0x1  }
0xa1: {  	s23 =	simm.s32 $0x1B8B  }
0xa2: {  	_ =	swait.ge [sflag:s23], $0x1  }
0xa3: {  	[sflag:s23] =	ssyncset.done $0x0  }
0xa4: {  	s25 =	simm.s32 $0x1B8E;
	s24 =	sld [smem:$0x3FFE];
	[sflag:s23] =	ssyncadd.s32 $0xFFFFFFFF  }
0xa5: {  	s26 =	simm.s32 $execute0_lowered;
	[smem:$0x3FD2] =	sst s25  }
0xa6: {  	s5 =	sshll.u32 s26, $0x1;
	_ =	strace $0x80000046;
	[dreg:$0x1] =	wrdreg $0xFFFFFFFF  }
0xa7: {  	s28 =	simm.s32 $_size_execute0_lowered;
	s3 =	sadd.s32 s3, s5;
	[dreg:$0x0] =	wrdreg $0x0  }
0xa8: {  	s5 =	sshll.u32 s28, $0x1;
	[dreg:$0x2] =	wrdreg s3  }
0xa9: {  	[dreg:$0x3] =	wrdreg s5  }
0xaa: {  	[dreg:$0x4] =	wrdreg $0xC0  }
0xab: {  	_ =	task [dreg:s7], $0x5FFFF  }
0xac: {  	[dreg:$0x1] =	wrdreg $0xFFFFFFFF  }
0xad: {  	[dreg:$0x0] =	wrdreg $0x60  }
0xae: {  	[dreg:$0x2] =	wrdreg s2  }
0xaf: {  	[dreg:$0x3] =	wrdreg s24  }
0xb0: {  	[dreg:$0x4] =	wrdreg $0x9  }
0xb1: {  	_ =	task.clear_ibuf [dreg:s7], $0x5FFFF;
	_ =	strace $0x90000046  }
0xb2: {  	s29 =	simm.s32 $0x9;
	_ =	strace $0x80000048  }
0xb3: {  	_ =	swait.ge [sflag:s29], $0x1  }
0xb4: {  	[sflag:s29] =	ssyncadd.s32 $0xFFFFFFFF  }
0xb5: {  	_ =	strace $0x90000048  }
0xb6: {  	_ =	sfence  }
0xb7: {  	s30 =	sld [smem:$0x0];
	_ =	sdelay $0x2  }
0xb8: {  	s31 =	sshll.u32 s1, $0xD;
	s1 =	sshrl.u32 s1, $0x2  }
0xb9: {  	s3 =	sand.u32 $0x4000, s31;
	s1 =	sadd.s32 s1, s30  }
0xba: {  	s0 =	sor.u32 s3, s0;
	s1 =	sshll.u32 s1, $0x11  }
0xbb: {  	s0 =	sor.u32 s1, s0  }
0xbc: {  	s0 =	sadd.s32 $0x8F2B, s0  }
0xbd: {  	[sflag:s0] =	ssyncadd.remote.s32 $0x1  }
0xbe: {  	_ =	sfence.sel $0xFFFF  }
0xbf: {  	[dreg:$0x0] =	wrdreg $0xFFFFFFFF;
	(pc) =	sbr.abs _section_cstart, $3  }
0xc0: {  	[dreg:$0x1] =	wrdreg $0xFFFFFFFF  }
0xc1: {  	_ =	task.clear_ibuf [dreg:s7], $0x2FFFF;
	_ =	strace $0x9FFFFFFF  }
0xc2: {  	(tm) =	ssettm $0x7FFFFFFF  }
0xc3: {  	_ =	shalt  }
tec
execute0_lowered:
.L_overlay_start_1:
0x0: {  	(tag) =	ssettag $0x1  }
0x1: {  	s1 =	rddreg [dreg:$0x0]  }
0x2: {  	s5 =	rddreg [dreg:$0x1]  }
0x3: {  	s0 =	rddreg [dreg:$0x2];
	s3 =	simm.s32 $0x0;
	s4 =	srdreg.scid  }
0x4: {  	s2 =	stileid.u32;
	s11 =	simm.s32 $0x4080;
	s12 =	simm.s32 $0x1  }
0x5: {  	s13 =	simm.s32 $0x2;
	s14 =	simm.s32 $0x0;
	[smem:$0x7FF] =	sst s3  }
0x6: {  	s6 =	sand.u32 $0x1, s4;
	s7 =	sshll.u32 s2, $0xD;
	s4 =	sadd.s32 $0x18600, s5  }
0x7: {  	s9 =	sshll.u32 s2, $0x11;
	_ =	strace $0x80000047;
	s8 =	sshll.u32 s6, $0xC  }
0x8: {  	s29 =	ssub.s32 $0x2, s6;
	s9 =	sadd.s32 s9, s5;
	s6 =	sshll.u32 s6, $0x10  }
0x9: {  	s7 =	sor.u32 s8, s7;
	s10 =	sshrl.u32 s29, $0x1;
	s31 =	sadd.s32 s6, s9  }
0xa: {  	s9 =	simm.s32 $0x3;
	s7 =	sshrl.u32 s7, $0x3;
	s8 =	ssub.s32 s29, s10  }
0xb: {  	s6 =	sadd.s32 $0x98600, s31;
	s10 =	simm.s32 $0x80;
	s30 =	sadd.s32 s7, s5  }
0xc: {  	s5 =	smax.u32 s8, $0x1;
	s7 =	sadd.s32 $0x298600, s31;
	s8 =	sadd.s32 $0x14600, s30  }
.LBB2_1:
0xd: {  	[tilespmem:s3], [sflag:$0x3] =	stream.linear.gather [hbm4b:s8+s3], $0x80, $0x38;
	[tilespmem:$0x8080] =	vst v63  }
0xe: {  	_ =	swait.ge [sflag:s9], $0x80  }
0xf: {  	[sflag:s9] =	ssyncset.done $0x0  }
0x10: {  	[sflag:s9] =	ssyncadd.s32 $0xFFFFFF80  }
0x11: {  	[tilespmem:s10], [sflag:$0x1] =	stream.indirect.gather [hbm4b:s1+s10], $0x80, s3, s10, $0xb8;
	[tilespmem:$0x8080] =	vst v63  }
0x12: {  	_ = 	snop  }
0x13: {  	[tilespmem:s11], [sflag:$0x2] =	stream.indirect.gather [hbm4b:s4+s10], $0x80, s3, s10, $0xb8;
	[tilespmem:$0x8080] =	vst v63  }
0x14: {  	_ =	swait.ge [sflag:s12], $0x4000  }
0x15: {  	[sflag:s12] =	ssyncset.done $0x0  }
0x16: {  	[sflag:s12] =	ssyncadd.s32 $0xFFFFC000  }
0x17: {  	_ =	swait.ge [sflag:s13], $0x4000  }
0x18: {  	[sflag:s13] =	ssyncset.done $0x0  }
0x19: {  	s15 =	sadd.s32 $0x0, s6;
	[sflag:s13] =	ssyncadd.s32 $0xFFFFC000  }
0x1a: {  	[hbm4b:s15+s3] =	stream.linear.scatter [tilespmem:s10], [sflag:$0x3], $0x4000, $0x38;
	[tilespmem:$0x8080] =	vst v63  }
0x1b: {  	_ =	swait.ge [sflag:s9], $0x4000  }
0x1c: {  	[sflag:s9] =	ssyncset.done $0x0  }
0x1d: {  	s31 =	sadd.s32 $0x0, s7;
	[sflag:s9] =	ssyncadd.s32 $0xFFFFC000  }
0x1e: {  	[hbm4b:s31+s3] =	stream.linear.scatter [tilespmem:s11], [sflag:$0x3], $0x4000, $0x38;
	[tilespmem:$0x8080] =	vst v63  }
0x1f: {  	_ =	swait.ge [sflag:s9], $0x4000  }
0x20: {  	s16 =	smov.u32 s8;
	s15 =	simm.s32 $0x800;
	[sflag:s9] =	ssyncset.done $0x0  }
.LBB2_2:
0x21: {  	p0 =	sne.s32 s15, $0xF800;
	[sflag:s9] =	ssyncadd.s32 $0xFFFFC000;
	s16 =	sadd.s32 $0x10, s16  }
0x22: {  	[tilespmem:s3], [sflag:$0x3] =	stream.linear.gather [hbm4b:s16+s3], $0x80, $0x38;
	[tilespmem:$0x8080] =	vst v63  }
0x23: {  	s17 =	smov.u32 s15;
	s15 =	sadd.s32 $0x800, s15;
	_ =	swait.ge [sflag:s9], $0x80  }
0x24: {  	[sflag:s9] =	ssyncset.done $0x0  }
0x25: {  	[sflag:s9] =	ssyncadd.s32 $0xFFFFFF80  }
0x26: {  	[tilespmem:s10], [sflag:$0x1] =	stream.indirect.gather [hbm4b:s1+s10], $0x80, s3, s10, $0xb8;
	[tilespmem:$0x8080] =	vst v63  }
0x27: {  	_ = 	snop  }
0x28: {  	[tilespmem:s11], [sflag:$0x2] =	stream.indirect.gather [hbm4b:s4+s10], $0x80, s3, s10, $0xb8;
	[tilespmem:$0x8080] =	vst v63  }
0x29: {  	_ =	swait.ge [sflag:s12], $0x4000  }
0x2a: {  	[sflag:s12] =	ssyncset.done $0x0  }
0x2b: {  	[sflag:s12] =	ssyncadd.s32 $0xFFFFC000  }
0x2c: {  	_ =	swait.ge [sflag:s13], $0x4000  }
0x2d: {  	[sflag:s13] =	ssyncset.done $0x0  }
0x2e: {  	s18 =	sadd.s32 s17, s6;
	[sflag:s13] =	ssyncadd.s32 $0xFFFFC000  }
0x2f: {  	[hbm4b:s18+s3] =	stream.linear.scatter [tilespmem:s10], [sflag:$0x3], $0x4000, $0x38;
	[tilespmem:$0x8080] =	vst v63  }
0x30: {  	_ =	swait.ge [sflag:s9], $0x4000  }
.Ltmp0:
0x31: {  	[sflag:s9] =	ssyncset.done $0x0;
	(pc) =	sbr.rel @p0 .LBB2_2-.Ltmp0, $4  }
0x32: {  	s17 =	sadd.s32 s17, s7;
	[sflag:s9] =	ssyncadd.s32 $0xFFFFC000  }
0x33: {  	[hbm4b:s17+s3] =	stream.linear.scatter [tilespmem:s11], [sflag:$0x3], $0x4000, $0x38;
	[tilespmem:$0x8080] =	vst v63  }
0x34: {  	_ =	swait.ge [sflag:s9], $0x4000  }
0x35: {  	[sflag:s9] =	ssyncset.done $0x0  }
0x36: {  	s14 =	sadd.s32 $0x1, s14  }
0x37: {  	p0 =	sne.s32 s14, s5  }
.Ltmp1:
0x38: {  	_ = 	snop;
	(pc) =	sbr.rel @p0 .LBB2_1-.Ltmp1, $2  }
0x39: {  	_ =	sdelay $0x2  }
0x3a: {  	[sflag:s9] =	ssyncadd.s32 $0xFFFFC000  }
0x3b: {  	_ =	sfence.sel $0x180000  }
0x3c: {  	[bflag:$0x0] =	sbarrier.arrive $0xFFFF  }
0x3d: {  	p0 =	sne.s32 s2, $0x0;
	_ =	strace $0x90000047  }
0x3e: {  	s0 =	sadd.s32 @!p0 $0x100000, s0;
	[bflag:$0x2] =	sbarrier.arrive $0xFFFF  }
0x3f: {  	[sflag:s0] =	ssyncadd.tile.s32 @!p0 $0x1;
	_ =	shalt  }
.Lfunc_end2:
_tile_overlayer_lowered:
.L_overlay_start_2:
0x40: {  	(tag) =	ssettag $0x2  }
0x41: {  	s0 =	rddreg [dreg:$0x0];
	s2 =	stileid.u32  }
0x42: {  	s1 =	rddreg [dreg:$0x1];
	p0 =	sne.s32 s2, $0x0  }
0x43: {  	s3 =	rddreg [dreg:$0x2];
	[bflag:$0x3] =	sbarrier.arrive $0xFFFF;
	s2 =	simm.s32 @!p0 $0x1C03  }
0x44: {  	[timem:s3], [sflag:s2] =	dma.local @!p0 [hbm:s0], s1  }
0x45: {  	s0 =	simm.s32 @!p0 $0x3  }
0x46: {  	_ =	swait.ge @!p0 [sflag:s0], s1  }
0x47: {  	s1 =	ssub.s32 @!p0 $0x0, s1;
	[sflag:s0] =	ssyncset.done @!p0 $0x0  }
0x48: {  	[sflag:s0] =	ssyncadd.s32 @!p0 s1  }
0x49: {  	[bflag:$0x3] =	sbarrier.arrive $0xFFFF  }
0x4a: {  	_ =	shalt  }

</sc_bundles>
